<compile_context>
chip_gen: v7x
topology: tpu7x:2x2x1
jax: 0.10.2.dev20260603
libtpu: 0.0.44.dev20260713+nightly
codegen_flags: <defaults>
</compile_context>

<pallas_src>
import functools

import jax
import jax.numpy as jnp
from jax import lax
from jax.experimental import pallas as pl
from jax.experimental.pallas import tpu as pltpu
from jax.experimental.pallas import tpu_sc as plsc


_ROWS = 64
_EPAD = 128


def _router_body(x_ref, gw_ref, pos_ref, offs_ref):
    logits = lax.dot_general(
        gw_ref[...], x_ref[...], (((1,), (1,)), ((), ())),
        preferred_element_type=jnp.float32)
    e_num, s_tot = logits.shape
    mx = jnp.max(logits, axis=0, keepdims=True)
    ids = lax.broadcasted_iota(jnp.int32, logits.shape, 0)
    sel = jnp.min(jnp.where(logits == mx, ids, e_num), axis=0, keepdims=True)

    e_ids = lax.broadcasted_iota(jnp.int32, (_EPAD, s_tot), 0)
    m = sel == e_ids
    mf = m.astype(jnp.float32)

    blk = 128
    u_blk = (lax.broadcasted_iota(jnp.int32, (blk, blk), 0)
             < lax.broadcasted_iota(jnp.int32, (blk, blk), 1)
             ).astype(jnp.float32)
    n_blk = s_tot // blk
    u_nb = (lax.broadcasted_iota(jnp.int32, (n_blk, n_blk), 0)
            < lax.broadcasted_iota(jnp.int32, (n_blk, n_blk), 1)
            ).astype(jnp.float32)

    ones_row = jnp.ones((1, s_tot), jnp.float32)
    counts_row = lax.dot_general(
        ones_row, mf, (((1,), (1,)), ((), ())),
        preferred_element_type=jnp.float32)
    offs_row = lax.dot_general(
        counts_row, u_blk, (((1,), (0,)), ((), ())),
        precision=lax.Precision.HIGHEST,
        preferred_element_type=jnp.float32)

    mf64 = mf[:e_num]
    w_within = jnp.concatenate(
        [lax.dot_general(mf64[:, b * blk:(b + 1) * blk], u_blk,
                         (((1,), (0,)), ((), ())),
                         preferred_element_type=jnp.float32)
         for b in range(n_blk)], axis=1)
    bt = (lax.broadcasted_iota(jnp.int32, (n_blk, s_tot), 0)
          == lax.broadcasted_iota(jnp.int32, (n_blk, s_tot), 1) // blk
          ).astype(jnp.float32)
    p_eb = lax.dot_general(
        mf64, bt, (((1,), (1,)), ((), ())),
        preferred_element_type=jnp.float32)
    pc_eb = lax.dot_general(
        p_eb, u_nb, (((1,), (0,)), ((), ())),
        precision=lax.Precision.HIGHEST,
        preferred_element_type=jnp.float32)
    prior = lax.dot_general(
        pc_eb, bt, (((1,), (0,)), ((), ())),
        precision=lax.Precision.HIGHEST,
        preferred_element_type=jnp.float32)
    rank_row = jnp.sum(mf64 * (prior + w_within), axis=0, keepdims=True)

    offs_sel = lax.dot_general(
        offs_row, mf, (((1,), (0,)), ((), ())),
        precision=lax.Precision.HIGHEST,
        preferred_element_type=jnp.float32)

    pos_ref[...] = (offs_sel + rank_row).astype(jnp.int32)
    offs_ref[...] = offs_row.astype(jnp.int32)


def _make_sc_permute(n_rows, d, scatter):
    info = plsc.get_sparse_core_info()
    nw = info.num_cores * info.num_subcores
    b_per_w = n_rows // nw
    mesh = plsc.VectorSubcoreMesh(core_axis_name="c", subcore_axis_name="s")

    @functools.partial(
        pl.kernel, mesh=mesh,
        out_type=jax.ShapeDtypeStruct((n_rows, d), jnp.float32),
        scratch_types=[
            pltpu.VMEM((b_per_w,), jnp.int32),
            pltpu.VMEM((b_per_w, d), jnp.float32),
            pltpu.SemaphoreType.DMA,
        ],
    )
    def permute_kernel(table_hbm, idx_hbm, out_hbm, idx_v, rows_v, sem):
        wid = lax.axis_index("s") * info.num_cores + lax.axis_index("c")
        base = wid * b_per_w
        pltpu.sync_copy(idx_hbm.at[pl.ds(base, b_per_w)], idx_v)
        if scatter:
            pltpu.sync_copy(table_hbm.at[pl.ds(base, b_per_w)], rows_v)
            pltpu.async_copy(rows_v, out_hbm.at[idx_v], sem).wait()
        else:
            pltpu.async_copy(table_hbm.at[idx_v], rows_v, sem).wait()
            pltpu.sync_copy(rows_v, out_hbm.at[pl.ds(base, b_per_w)])

    return permute_kernel


def _moe_body(off_ref, xs_ref, w1_ref, w3_ref, w2_ref, out_ref, *, seq):
    e = pl.program_id(0)
    start = off_ref[e]
    end = off_ref[e + 1]
    base0 = (start // 8) * 8
    nch = (end - base0 + _ROWS - 1) // _ROWS

    def chunk(i, carry):
        base = jnp.minimum(base0 + i * _ROWS, seq - _ROWS)
        base = pl.multiple_of(base, 8)
        xg = xs_ref[pl.ds(base, _ROWS), :]
        a = lax.dot_general(
            xg, w1_ref[0], (((1,), (1,)), ((), ())),
            preferred_element_type=jnp.float32)
        b = lax.dot_general(
            xg, w3_ref[0], (((1,), (1,)), ((), ())),
            preferred_element_type=jnp.float32)
        h = jnp.maximum(a, 0.0) * b
        o = lax.dot_general(
            h, w2_ref[0], (((1,), (1,)), ((), ())),
            preferred_element_type=jnp.float32)

        rows = base + lax.broadcasted_iota(jnp.int32, (_ROWS, 1), 0)
        mask = (rows >= start) & (rows < end)
        cur = out_ref[pl.ds(base, _ROWS), :]
        out_ref[pl.ds(base, _ROWS), :] = jnp.where(mask, o, cur)
        return carry

    jax.lax.fori_loop(0, nch, chunk, 0)


def kernel(x, gate_w, w1, w2, w3):
    bz, seq, d = x.shape
    e_num, ff, _ = w1.shape
    s_tot = bz * seq
    xt = x.reshape(s_tot, d)

    pos2d, offs2d = pl.pallas_call(
        _router_body,
        out_shape=[
            jax.ShapeDtypeStruct((1, s_tot), jnp.int32),
            jax.ShapeDtypeStruct((1, _EPAD), jnp.int32),
        ],
    )(xt, gate_w)
    pos = pos2d.reshape(s_tot)
    offs = offs2d.reshape(_EPAD)

    sc_scatter = _make_sc_permute(s_tot, d, scatter=True)
    xs = sc_scatter(xt, pos)

    os_sorted = pl.pallas_call(
        functools.partial(_moe_body, seq=s_tot),
        grid=(e_num,),
        in_specs=[
            pl.BlockSpec(memory_space=pltpu.SMEM),
            pl.BlockSpec((s_tot, d), lambda e: (0, 0)),
            pl.BlockSpec((1, ff, d), lambda e: (e, 0, 0)),
            pl.BlockSpec((1, ff, d), lambda e: (e, 0, 0)),
            pl.BlockSpec((1, d, ff), lambda e: (e, 0, 0)),
        ],
        out_specs=pl.BlockSpec((s_tot, d), lambda e: (0, 0)),
        out_shape=jax.ShapeDtypeStruct((s_tot, d), jnp.float32),
    )(offs, xs, w1, w3, w2)

    sc_gather = _make_sc_permute(s_tot, d, scatter=False)
    out = sc_gather(os_sorted, pos)

    return out.reshape(bz, seq, d)

# --- scband reference (transcript-rebuilt; emitter-appended) ---
"""Pipeline reference for scband-transformer-encoder-layer-87514253623551 (READ-ONLY COPY).

The authoritative reference and input builder live on the scoring server;
editing this copy changes nothing except your own understanding.
"""

import jax, jax.numpy as jnp
import numpy as np

E = 64
TOPK = 1
D = 768
FF = 1536
B = 1
S = 2048


def setup_inputs(seed: int = 0) -> dict:
    key = jax.random.key(seed)
    ks = jax.random.split(key, 5)
    x = jax.random.normal(ks[0], (B, S, D), dtype=jnp.float32)
    gate_w = jax.random.normal(ks[1], (E, D), dtype=jnp.float32) / np.sqrt(D)
    w1 = jax.random.normal(ks[2], (E, FF, D), dtype=jnp.float32) / np.sqrt(D)
    w2 = jax.random.normal(ks[3], (E, D, FF), dtype=jnp.float32) / np.sqrt(FF)
    w3 = jax.random.normal(ks[4], (E, FF, D), dtype=jnp.float32) / np.sqrt(D)
    return {"x": x, "gate_w": gate_w, "w1": w1, "w2": w2, "w3": w3}


def reference(x, gate_w, w1, w2, w3):
    Bz, Sz, H = x.shape
    xt = x.reshape(-1, H)
    # router
    router_logits = xt @ gate_w.T
    routing_probs = jax.nn.softmax(router_logits.astype(jnp.float32), axis=1)
    routing_weights, selected_experts = jax.lax.top_k(routing_probs, TOPK)
    routing_weights = routing_weights / routing_weights.sum(axis=-1, keepdims=True)
    routing_weights = routing_weights.astype(xt.dtype)
    final_x = jnp.zeros((Bz * Sz, H), dtype=xt.dtype)
    for e in range(E):
        h = jax.nn.relu(xt @ w1[e].T) * (xt @ w3[e].T)  # SwiGLU-style expert FFN (relu)
        w_e = jnp.where(selected_experts == e, routing_weights, jnp.zeros_like(routing_weights))
        out = (h @ w2[e].T) * w_e.sum(axis=-1, keepdims=True)
        final_x = final_x + out  # scatter-add combine
    return final_x.reshape(Bz, Sz, H)

if __name__ == "__main__":
    import jax
    _d = setup_inputs()
    print(jax.jit(kernel)(*tuple(_d.values())))

</pallas_src>

<mosaic_0001>
#map = affine_map<(d0, d1) -> (0, 0)>
#map1 = affine_map<(d0, d1) -> (0)>
module attributes {stable_mosaic.version = 14 : i64} {
  func.func @permute_kernel(%arg0: i32, %arg1: i32, %arg2: memref<2048x768xf32, #tpu.memory_space<hbm>>, %arg3: memref<2048xi32, #tpu.memory_space<hbm>>, %arg4: memref<2048x768xf32, #tpu.memory_space<hbm>>, %arg5: memref<64xi32, #tpu.memory_space<vmem>>, %arg6: memref<64x768xf32, #tpu.memory_space<vmem>>, %arg7: memref<!tpu.dma_semaphore, #tpu.memory_space<semaphore_mem>>) attributes {dimension_semantics = [#tpu.dimension_semantics<core_parallel>, #tpu.dimension_semantics<subcore_parallel>], iteration_bounds = array<i64: 2, 16>, scalar_prefetch = 0 : i64, scratch_operands = 3 : i64, tpu.core_type = #tpu.core_type<sc_vector_subcore>, window_params = [{transform_indices = #map}, {transform_indices = #map1}, {transform_indices = #map}]} {
    %mul3A = arith.constant 2 : i32
    %mul3A_0 = arith.muli %arg1, %mul3A : i32
    %add3A = arith.addi %mul3A_0, %arg0 : i32
    %mul3A_1 = arith.constant 64 : i32
    %mul3A_2 = arith.muli %add3A, %mul3A_1 : i32
    "tpu.region"() ({
      %run_scoped3A = tpu.sem_alloc : memref<!tpu.dma_semaphore, #tpu.memory_space<semaphore_mem>>
      %dma_start3A_7 = tpu.memref_slice %arg3[%mul3A_2] : memref<2048xi32, #tpu.memory_space<hbm>> -> memref<64xi32, #tpu.memory_space<hbm>>
      %dma_start3A_8 = tpu.memref_slice %arg3[%mul3A_2] : memref<2048xi32, #tpu.memory_space<hbm>> -> memref<64xi32, #tpu.memory_space<hbm>>
      tpu.enqueue_dma source(%dma_start3A_8 : memref<64xi32, #tpu.memory_space<hbm>>) target(%arg5 : memref<64xi32, #tpu.memory_space<vmem>>) target_semaphore(%run_scoped3A : memref<!tpu.dma_semaphore, #tpu.memory_space<semaphore_mem>>)
      %dma_wait3A_9 = tpu.memref_slice %arg3[%mul3A_2] : memref<2048xi32, #tpu.memory_space<hbm>> -> memref<64xi32, #tpu.memory_space<hbm>>
      %dma_wait3A_10 = tpu.memref_slice %arg3[%mul3A_2] : memref<2048xi32, #tpu.memory_space<hbm>> -> memref<64xi32, #tpu.memory_space<hbm>>
      tpu.wait_dma2 semaphore(%run_scoped3A : memref<!tpu.dma_semaphore, #tpu.memory_space<semaphore_mem>>) src(%dma_wait3A_10 : memref<64xi32, #tpu.memory_space<hbm>>) dst(%arg5 : memref<64xi32, #tpu.memory_space<vmem>>)
      tpu.yield
    }) : () -> ()
    "tpu.region"() ({
      %run_scoped3A = tpu.sem_alloc : memref<!tpu.dma_semaphore, #tpu.memory_space<semaphore_mem>>
      %dma_start3A_7 = arith.constant 0 : i32
      %dma_start3A_8 = tpu.memref_slice %arg2[%mul3A_2, %dma_start3A_7] : memref<2048x768xf32, #tpu.memory_space<hbm>> -> memref<64x768xf32, #tpu.memory_space<hbm>>
      %dma_start3A_9 = arith.constant 0 : i32
      %dma_start3A_10 = tpu.memref_slice %arg2[%mul3A_2, %dma_start3A_9] : memref<2048x768xf32, #tpu.memory_space<hbm>> -> memref<64x768xf32, #tpu.memory_space<hbm>>
      tpu.enqueue_dma source(%dma_start3A_10 : memref<64x768xf32, #tpu.memory_space<hbm>>) target(%arg6 : memref<64x768xf32, #tpu.memory_space<vmem>>) target_semaphore(%run_scoped3A : memref<!tpu.dma_semaphore, #tpu.memory_space<semaphore_mem>>)
      %dma_wait3A_11 = arith.constant 0 : i32
      %dma_wait3A_12 = tpu.memref_slice %arg2[%mul3A_2, %dma_wait3A_11] : memref<2048x768xf32, #tpu.memory_space<hbm>> -> memref<64x768xf32, #tpu.memory_space<hbm>>
      %dma_wait3A_13 = arith.constant 0 : i32
      %dma_wait3A_14 = tpu.memref_slice %arg2[%mul3A_2, %dma_wait3A_13] : memref<2048x768xf32, #tpu.memory_space<hbm>> -> memref<64x768xf32, #tpu.memory_space<hbm>>
      tpu.wait_dma2 semaphore(%run_scoped3A : memref<!tpu.dma_semaphore, #tpu.memory_space<semaphore_mem>>) src(%dma_wait3A_14 : memref<64x768xf32, #tpu.memory_space<hbm>>) dst(%arg6 : memref<64x768xf32, #tpu.memory_space<vmem>>)
      tpu.yield
    }) : () -> ()
    %dma_start3A = arith.constant 0 : i32
    %dma_start3A_3 = arith.constant 0 : i32
    %dma_start3A_4 = tpu.memref_slice %arg4[%dma_start3A, %dma_start3A_3] : memref<2048x768xf32, #tpu.memory_space<hbm>> -> memref<2048x768xf32, #tpu.memory_space<hbm>>
    tpu.enqueue_indirect_dma source(%arg6 : memref<64x768xf32, #tpu.memory_space<vmem>>) target(%dma_start3A_4 : memref<2048x768xf32, #tpu.memory_space<hbm>>) offsets(%arg5 : memref<64xi32, #tpu.memory_space<vmem>>) semaphore(%arg7 : memref<!tpu.dma_semaphore, #tpu.memory_space<semaphore_mem>>)
    %dma_wait3A = arith.constant 0 : i32
    %dma_wait3A_5 = arith.constant 0 : i32
    %dma_wait3A_6 = tpu.memref_slice %arg4[%dma_wait3A, %dma_wait3A_5] : memref<2048x768xf32, #tpu.memory_space<hbm>> -> memref<2048x768xf32, #tpu.memory_space<hbm>>
    tpu.wait_indirect_dma semaphore(%arg7 : memref<!tpu.dma_semaphore, #tpu.memory_space<semaphore_mem>>) src(%arg6 : memref<64x768xf32, #tpu.memory_space<vmem>>) dst(%dma_wait3A_6 : memref<2048x768xf32, #tpu.memory_space<hbm>>)
    return
  }
}

#map = affine_map<(d0, d1) -> (0, 0)>
#map1 = affine_map<(d0, d1) -> (0)>
module attributes {stable_mosaic.version = 14 : i64} {
  func.func @permute_kernel(%arg0: i32, %arg1: i32, %arg2: memref<2048x768xf32, #tpu.memory_space<hbm>>, %arg3: memref<2048xi32, #tpu.memory_space<hbm>>, %arg4: memref<2048x768xf32, #tpu.memory_space<hbm>>, %arg5: memref<64xi32, #tpu.memory_space<vmem>>, %arg6: memref<64x768xf32, #tpu.memory_space<vmem>>, %arg7: memref<!tpu.dma_semaphore, #tpu.memory_space<semaphore_mem>>) attributes {dimension_semantics = [#tpu.dimension_semantics<core_parallel>, #tpu.dimension_semantics<subcore_parallel>], iteration_bounds = array<i64: 2, 16>, scalar_prefetch = 0 : i64, scratch_operands = 3 : i64, tpu.core_type = #tpu.core_type<sc_vector_subcore>, window_params = [{transform_indices = #map}, {transform_indices = #map1}, {transform_indices = #map}]} {
    %mul3A = arith.constant 2 : i32
    %mul3A_0 = arith.muli %arg1, %mul3A : i32
    %add3A = arith.addi %mul3A_0, %arg0 : i32
    %mul3A_1 = arith.constant 64 : i32
    %mul3A_2 = arith.muli %add3A, %mul3A_1 : i32
    "tpu.region"() ({
      %run_scoped3A = tpu.sem_alloc : memref<!tpu.dma_semaphore, #tpu.memory_space<semaphore_mem>>
      %dma_start3A_7 = tpu.memref_slice %arg3[%mul3A_2] : memref<2048xi32, #tpu.memory_space<hbm>> -> memref<64xi32, #tpu.memory_space<hbm>>
      %dma_start3A_8 = tpu.memref_slice %arg3[%mul3A_2] : memref<2048xi32, #tpu.memory_space<hbm>> -> memref<64xi32, #tpu.memory_space<hbm>>
      tpu.enqueue_dma source(%dma_start3A_8 : memref<64xi32, #tpu.memory_space<hbm>>) target(%arg5 : memref<64xi32, #tpu.memory_space<vmem>>) target_semaphore(%run_scoped3A : memref<!tpu.dma_semaphore, #tpu.memory_space<semaphore_mem>>)
      %dma_wait3A_9 = tpu.memref_slice %arg3[%mul3A_2] : memref<2048xi32, #tpu.memory_space<hbm>> -> memref<64xi32, #tpu.memory_space<hbm>>
      %dma_wait3A_10 = tpu.memref_slice %arg3[%mul3A_2] : memref<2048xi32, #tpu.memory_space<hbm>> -> memref<64xi32, #tpu.memory_space<hbm>>
      tpu.wait_dma2 semaphore(%run_scoped3A : memref<!tpu.dma_semaphore, #tpu.memory_space<semaphore_mem>>) src(%dma_wait3A_10 : memref<64xi32, #tpu.memory_space<hbm>>) dst(%arg5 : memref<64xi32, #tpu.memory_space<vmem>>)
      tpu.yield
    }) : () -> ()
    %dma_start3A = arith.constant 0 : i32
    %dma_start3A_3 = arith.constant 0 : i32
    %dma_start3A_4 = tpu.memref_slice %arg2[%dma_start3A, %dma_start3A_3] : memref<2048x768xf32, #tpu.memory_space<hbm>> -> memref<2048x768xf32, #tpu.memory_space<hbm>>
    tpu.enqueue_indirect_dma source(%dma_start3A_4 : memref<2048x768xf32, #tpu.memory_space<hbm>>) target(%arg6 : memref<64x768xf32, #tpu.memory_space<vmem>>) offsets(%arg5 : memref<64xi32, #tpu.memory_space<vmem>>) semaphore(%arg7 : memref<!tpu.dma_semaphore, #tpu.memory_space<semaphore_mem>>)
    %dma_wait3A = arith.constant 0 : i32
    %dma_wait3A_5 = arith.constant 0 : i32
    %dma_wait3A_6 = tpu.memref_slice %arg2[%dma_wait3A, %dma_wait3A_5] : memref<2048x768xf32, #tpu.memory_space<hbm>> -> memref<2048x768xf32, #tpu.memory_space<hbm>>
    tpu.wait_indirect_dma semaphore(%arg7 : memref<!tpu.dma_semaphore, #tpu.memory_space<semaphore_mem>>) src(%dma_wait3A_6 : memref<2048x768xf32, #tpu.memory_space<hbm>>) dst(%arg6 : memref<64x768xf32, #tpu.memory_space<vmem>>)
    "tpu.region"() ({
      %run_scoped3A = tpu.sem_alloc : memref<!tpu.dma_semaphore, #tpu.memory_space<semaphore_mem>>
      %dma_start3A_7 = arith.constant 0 : i32
      %dma_start3A_8 = tpu.memref_slice %arg4[%mul3A_2, %dma_start3A_7] : memref<2048x768xf32, #tpu.memory_space<hbm>> -> memref<64x768xf32, #tpu.memory_space<hbm>>
      %dma_start3A_9 = arith.constant 0 : i32
      %dma_start3A_10 = tpu.memref_slice %arg4[%mul3A_2, %dma_start3A_9] : memref<2048x768xf32, #tpu.memory_space<hbm>> -> memref<64x768xf32, #tpu.memory_space<hbm>>
      tpu.enqueue_dma source(%arg6 : memref<64x768xf32, #tpu.memory_space<vmem>>) target(%dma_start3A_10 : memref<64x768xf32, #tpu.memory_space<hbm>>) target_semaphore(%run_scoped3A : memref<!tpu.dma_semaphore, #tpu.memory_space<semaphore_mem>>)
      %dma_wait3A_11 = arith.constant 0 : i32
      %dma_wait3A_12 = tpu.memref_slice %arg4[%mul3A_2, %dma_wait3A_11] : memref<2048x768xf32, #tpu.memory_space<hbm>> -> memref<64x768xf32, #tpu.memory_space<hbm>>
      %dma_wait3A_13 = arith.constant 0 : i32
      %dma_wait3A_14 = tpu.memref_slice %arg4[%mul3A_2, %dma_wait3A_13] : memref<2048x768xf32, #tpu.memory_space<hbm>> -> memref<64x768xf32, #tpu.memory_space<hbm>>
      tpu.wait_dma2 semaphore(%run_scoped3A : memref<!tpu.dma_semaphore, #tpu.memory_space<semaphore_mem>>) src(%arg6 : memref<64x768xf32, #tpu.memory_space<vmem>>) dst(%dma_wait3A_14 : memref<64x768xf32, #tpu.memory_space<hbm>>)
      tpu.yield
    }) : () -> ()
    return
  }
}

module attributes {stable_mosaic.version = 14 : i64} {
  func.func @_moe_body(%arg0: i32, %arg1: memref<128xi32, #tpu.memory_space<smem>>, %arg2: memref<2048x768xf32, #tpu.memory_space<vmem>>, %arg3: memref<1x1536x768xf32, #tpu.memory_space<vmem>>, %arg4: memref<1x1536x768xf32, #tpu.memory_space<vmem>>, %arg5: memref<1x768x1536xf32, #tpu.memory_space<vmem>>, %arg6: memref<2048x768xf32, #tpu.memory_space<vmem>>) attributes {dimension_semantics = [#tpu.dimension_semantics<arbitrary>], iteration_bounds = array<i64: 64>, scalar_prefetch = 0 : i64, scratch_operands = 0 : i64, tpu.core_type = #tpu.core_type<tc>, window_params = [{transform_indices = @transform_0, window_bounds = array<i64: 128>}, {pipeline_mode = #tpu.pipeline_mode<synchronous>, transform_indices = @transform_1, window_bounds = array<i64: 2048, 768>}, {transform_indices = @transform_2, window_bounds = array<i64: 1, 1536, 768>}, {transform_indices = @transform_3, window_bounds = array<i64: 1, 1536, 768>}, {transform_indices = @transform_4, window_bounds = array<i64: 1, 768, 1536>}, {pipeline_mode = #tpu.pipeline_mode<synchronous>, transform_indices = @transform_5, window_bounds = array<i64: 2048, 768>}]} {
    %get3A = arith.index_cast %arg0 : i32 to index
    %get3A_0 = memref.load %arg1[%get3A] : memref<128xi32, #tpu.memory_space<smem>>
    %add3A = arith.constant 1 : i32
    %add3A_1 = arith.addi %arg0, %add3A : i32
    %get3A_2 = arith.index_cast %add3A_1 : i32 to index
    %get3A_3 = memref.load %arg1[%get3A_2] : memref<128xi32, #tpu.memory_space<smem>>
    %jit3A = arith.constant 8 : i32
    %div3A = arith.divsi %get3A_0, %jit3A : i32
    %sign3A = arith.constant 0 : i32
    %sign3A_4 = arith.cmpi sgt, %get3A_0, %sign3A : i32
    %sign3A_5 = arith.extui %sign3A_4 : i1 to i32
    %sign3A_6 = arith.constant 0 : i32
    %sign3A_7 = arith.cmpi slt, %get3A_0, %sign3A_6 : i32
    %sign3A_8 = arith.extui %sign3A_7 : i1 to i32
    %sign3A_9 = arith.subi %sign3A_5, %sign3A_8 : i32
    %sign3A_10 = arith.constant 0 : i32
    %sign3A_11 = arith.cmpi sgt, %jit3A, %sign3A_10 : i32
    %sign3A_12 = arith.extui %sign3A_11 : i1 to i32
    %sign3A_13 = arith.constant 0 : i32
    %sign3A_14 = arith.cmpi slt, %jit3A, %sign3A_13 : i32
    %sign3A_15 = arith.extui %sign3A_14 : i1 to i32
    %sign3A_16 = arith.subi %sign3A_12, %sign3A_15 : i32
    %ne3A = arith.cmpi ne, %sign3A_9, %sign3A_16 : i32
    %rem3A = arith.remsi %get3A_0, %jit3A : i32
    %ne3A_17 = arith.constant 0 : i32
    %ne3A_18 = arith.cmpi ne, %rem3A, %ne3A_17 : i32
    %and3A = arith.andi %ne3A, %ne3A_18 : i1
    %sub3A = arith.constant 1 : i32
    %sub3A_19 = arith.subi %div3A, %sub3A : i32
    %select_n3A = arith.select %and3A, %sub3A_19, %div3A : i32
    %mul3A = arith.constant 8 : i32
    %mul3A_20 = arith.muli %select_n3A, %mul3A : i32
    %sub3A_21 = arith.subi %get3A_3, %mul3A_20 : i32
    %add3A_22 = arith.constant 64 : i32
    %add3A_23 = arith.addi %sub3A_21, %add3A_22 : i32
    %sub3A_24 = arith.constant 1 : i32
    %sub3A_25 = arith.subi %add3A_23, %sub3A_24 : i32
    %jit3A_26 = arith.constant 64 : i32
    %div3A_27 = arith.divsi %sub3A_25, %jit3A_26 : i32
    %sign3A_28 = arith.constant 0 : i32
    %sign3A_29 = arith.cmpi sgt, %sub3A_25, %sign3A_28 : i32
    %sign3A_30 = arith.extui %sign3A_29 : i1 to i32
    %sign3A_31 = arith.constant 0 : i32
    %sign3A_32 = arith.cmpi slt, %sub3A_25, %sign3A_31 : i32
    %sign3A_33 = arith.extui %sign3A_32 : i1 to i32
    %sign3A_34 = arith.subi %sign3A_30, %sign3A_33 : i32
    %sign3A_35 = arith.constant 0 : i32
    %sign3A_36 = arith.cmpi sgt, %jit3A_26, %sign3A_35 : i32
    %sign3A_37 = arith.extui %sign3A_36 : i1 to i32
    %sign3A_38 = arith.constant 0 : i32
    %sign3A_39 = arith.cmpi slt, %jit3A_26, %sign3A_38 : i32
    %sign3A_40 = arith.extui %sign3A_39 : i1 to i32
    %sign3A_41 = arith.subi %sign3A_37, %sign3A_40 : i32
    %ne3A_42 = arith.cmpi ne, %sign3A_34, %sign3A_41 : i32
    %rem3A_43 = arith.remsi %sub3A_25, %jit3A_26 : i32
    %ne3A_44 = arith.constant 0 : i32
    %ne3A_45 = arith.cmpi ne, %rem3A_43, %ne3A_44 : i32
    %and3A_46 = arith.andi %ne3A_42, %ne3A_45 : i1
    %sub3A_47 = arith.constant 1 : i32
    %sub3A_48 = arith.subi %div3A_27, %sub3A_47 : i32
    %select_n3A_49 = arith.select %and3A_46, %sub3A_48, %div3A_27 : i32
    %while3A = arith.constant 0 : i32
    %while3A_50 = arith.constant 0 : i32
    %while3A_51 = arith.subi %select_n3A_49, %while3A_50 : i32
    %while3A_52 = arith.addi %while3A_50, %while3A_51 : i32
    %while3A_53 = arith.constant 1 : i32
    %while3A_54 = arith.divsi %while3A_51, %while3A_53 : i32
    %while3A_55 = arith.muli %while3A_54, %while3A_53 : i32
    %while3A_56 = arith.addi %while3A_50, %while3A_55 : i32
    %while3A_57 = arith.constant 1 : i32
    scf.for %while3A_59 = %while3A_50 to %while3A_56 step %while3A_57  : i32 {
      %mul3A_60 = arith.constant 64 : i32
      %mul3A_61 = arith.muli %while3A_59, %mul3A_60 : i32
      %add3A_62 = arith.addi %mul3A_20, %mul3A_61 : i32
      %min3A = arith.constant 1984 : i32
      %min3A_63 = arith.minsi %add3A_62, %min3A : i32
      %multiple_of3A = tpu.assume_multiple %min3A_63, 8 : i32
      %get3A_64 = arith.index_cast %multiple_of3A : i32 to index
      %get3A_65 = arith.constant 0 : index
      %get3A_66 = vector.load %arg2[%get3A_64, %get3A_65] : memref<2048x768xf32, #tpu.memory_space<vmem>>, vector<64x768xf32>
      %get3A_67 = arith.constant 0 : index
      %get3A_68 = arith.constant 0 : index
      %get3A_69 = arith.constant 0 : index
      %get3A_70 = vector.load %arg3[%get3A_67, %get3A_68, %get3A_69] : memref<1x1536x768xf32, #tpu.memory_space<vmem>>, vector<1x1536x768xf32>
      %get3A_71 = vector.shape_cast %get3A_70 : vector<1x1536x768xf32> to vector<1536x768xf32>
      %dot_general3A = arith.constant dense<0.000000e+00> : vector<64x1536xf32>
      %dot_general3A_72 = tpu.matmul %get3A_66, %get3A_71, %dot_general3A {dimension_numbers = #tpu.dot_dimension_numbers<[1], [1], [0], [0], [0, 0, 1, 0], [], []>, transpose_lhs_hint = false} : vector<64x768xf32>, vector<1536x768xf32>, vector<64x1536xf32> -> vector<64x1536xf32>
      %get3A_73 = arith.constant 0 : index
      %get3A_74 = arith.constant 0 : index
      %get3A_75 = arith.constant 0 : index
      %get3A_76 = vector.load %arg4[%get3A_73, %get3A_74, %get3A_75] : memref<1x1536x768xf32, #tpu.memory_space<vmem>>, vector<1x1536x768xf32>
      %get3A_77 = vector.shape_cast %get3A_76 : vector<1x1536x768xf32> to vector<1536x768xf32>
      %dot_general3A_78 = arith.constant dense<0.000000e+00> : vector<64x1536xf32>
      %dot_general3A_79 = tpu.matmul %get3A_66, %get3A_77, %dot_general3A_78 {dimension_numbers = #tpu.dot_dimension_numbers<[1], [1], [0], [0], [0, 0, 1, 0], [], []>, transpose_lhs_hint = false} : vector<64x768xf32>, vector<1536x768xf32>, vector<64x1536xf32> -> vector<64x1536xf32>
      %max3A = arith.constant 0.000000e+00 : f32
      %max3A_80 = vector.broadcast %max3A : f32 to vector<64x1536xf32>
      %max3A_81 = arith.maximumf %dot_general3A_72, %max3A_80 : vector<64x1536xf32>
      %mul3A_82 = arith.mulf %max3A_81, %dot_general3A_79 : vector<64x1536xf32>
      %get3A_83 = arith.constant 0 : index
      %get3A_84 = arith.constant 0 : index
      %get3A_85 = arith.constant 0 : index
      %get3A_86 = vector.load %arg5[%get3A_83, %get3A_84, %get3A_85] : memref<1x768x1536xf32, #tpu.memory_space<vmem>>, vector<1x768x1536xf32>
      %get3A_87 = vector.shape_cast %get3A_86 : vector<1x768x1536xf32> to vector<768x1536xf32>
      %dot_general3A_88 = arith.constant dense<0.000000e+00> : vector<64x768xf32>
      %dot_general3A_89 = tpu.matmul %mul3A_82, %get3A_87, %dot_general3A_88 {dimension_numbers = #tpu.dot_dimension_numbers<[1], [1], [0], [0], [0, 0, 1, 0], [], []>, transpose_lhs_hint = false} : vector<64x1536xf32>, vector<768x1536xf32>, vector<64x768xf32> -> vector<64x768xf32>
      %iota3A = tpu.iota {dimensions = array<i32: 0>} : vector<64x1xi32>
      %add3A_90 = vector.broadcast %multiple_of3A : i32 to vector<64x1xi32>
      %add3A_91 = arith.addi %add3A_90, %iota3A : vector<64x1xi32>
      %ge3A = vector.broadcast %get3A_0 : i32 to vector<64x1xi32>
      %ge3A_92 = arith.cmpi sge, %add3A_91, %ge3A : vector<64x1xi32>
      %lt3A = vector.broadcast %get3A_3 : i32 to vector<64x1xi32>
      %lt3A_93 = arith.cmpi slt, %add3A_91, %lt3A : vector<64x1xi32>
      %and3A_94 = arith.andi %ge3A_92, %lt3A_93 : vector<64x1xi1>
      %get3A_95 = arith.index_cast %multiple_of3A : i32 to index
      %get3A_96 = arith.constant 0 : index
      %get3A_97 = vector.load %arg6[%get3A_95, %get3A_96] : memref<2048x768xf32, #tpu.memory_space<vmem>>, vector<64x768xf32>
      %broadcast_in_dim3A = vector.shape_cast %and3A_94 : vector<64x1xi1> to vector<64x1xi1>
      %broadcast_in_dim3A_98 = vector.broadcast %broadcast_in_dim3A : vector<64x1xi1> to vector<64x768xi1>
      %select_n3A_99 = arith.select %broadcast_in_dim3A_98, %dot_general3A_89, %get3A_97 : vector<64x768xi1>, vector<64x768xf32>
      %swap3A = arith.index_cast %multiple_of3A : i32 to index
      %swap3A_100 = arith.constant 0 : index
      %swap3A_101 = vector.load %arg6[%swap3A, %swap3A_100] : memref<2048x768xf32, #tpu.memory_space<vmem>>, vector<64x768xf32>
      tpu.vector_store %arg6[%swap3A, %swap3A_100], %select_n3A_99 {strides = array<i32>} : memref<2048x768xf32, #tpu.memory_space<vmem>>, vector<64x768xf32>,
    }
    %while3A_58 = arith.constant 1 : i32
    scf.for %while3A_59 = %while3A_56 to %while3A_52 step %while3A_58  : i32 {
      %mul3A_60 = arith.constant 64 : i32
      %mul3A_61 = arith.muli %while3A_59, %mul3A_60 : i32
      %add3A_62 = arith.addi %mul3A_20, %mul3A_61 : i32
      %min3A = arith.constant 1984 : i32
      %min3A_63 = arith.minsi %add3A_62, %min3A : i32
      %multiple_of3A = tpu.assume_multiple %min3A_63, 8 : i32
      %get3A_64 = arith.index_cast %multiple_of3A : i32 to index
      %get3A_65 = arith.constant 0 : index
      %get3A_66 = vector.load %arg2[%get3A_64, %get3A_65] : memref<2048x768xf32, #tpu.memory_space<vmem>>, vector<64x768xf32>
      %get3A_67 = arith.constant 0 : index
      %get3A_68 = arith.constant 0 : index
      %get3A_69 = arith.constant 0 : index
      %get3A_70 = vector.load %arg3[%get3A_67, %get3A_68, %get3A_69] : memref<1x1536x768xf32, #tpu.memory_space<vmem>>, vector<1x1536x768xf32>
      %get3A_71 = vector.shape_cast %get3A_70 : vector<1x1536x768xf32> to vector<1536x768xf32>
      %dot_general3A = arith.constant dense<0.000000e+00> : vector<64x1536xf32>
      %dot_general3A_72 = tpu.matmul %get3A_66, %get3A_71, %dot_general3A {dimension_numbers = #tpu.dot_dimension_numbers<[1], [1], [0], [0], [0, 0, 1, 0], [], []>, transpose_lhs_hint = false} : vector<64x768xf32>, vector<1536x768xf32>, vector<64x1536xf32> -> vector<64x1536xf32>
      %get3A_73 = arith.constant 0 : index
      %get3A_74 = arith.constant 0 : index
      %get3A_75 = arith.constant 0 : index
      %get3A_76 = vector.load %arg4[%get3A_73, %get3A_74, %get3A_75] : memref<1x1536x768xf32, #tpu.memory_space<vmem>>, vector<1x1536x768xf32>
      %get3A_77 = vector.shape_cast %get3A_76 : vector<1x1536x768xf32> to vector<1536x768xf32>
      %dot_general3A_78 = arith.constant dense<0.000000e+00> : vector<64x1536xf32>
      %dot_general3A_79 = tpu.matmul %get3A_66, %get3A_77, %dot_general3A_78 {dimension_numbers = #tpu.dot_dimension_numbers<[1], [1], [0], [0], [0, 0, 1, 0], [], []>, transpose_lhs_hint = false} : vector<64x768xf32>, vector<1536x768xf32>, vector<64x1536xf32> -> vector<64x1536xf32>
      %max3A = arith.constant 0.000000e+00 : f32
      %max3A_80 = vector.broadcast %max3A : f32 to vector<64x1536xf32>
      %max3A_81 = arith.maximumf %dot_general3A_72, %max3A_80 : vector<64x1536xf32>
      %mul3A_82 = arith.mulf %max3A_81, %dot_general3A_79 : vector<64x1536xf32>
      %get3A_83 = arith.constant 0 : index
      %get3A_84 = arith.constant 0 : index
      %get3A_85 = arith.constant 0 : index
      %get3A_86 = vector.load %arg5[%get3A_83, %get3A_84, %get3A_85] : memref<1x768x1536xf32, #tpu.memory_space<vmem>>, vector<1x768x1536xf32>
      %get3A_87 = vector.shape_cast %get3A_86 : vector<1x768x1536xf32> to vector<768x1536xf32>
      %dot_general3A_88 = arith.constant dense<0.000000e+00> : vector<64x768xf32>
      %dot_general3A_89 = tpu.matmul %mul3A_82, %get3A_87, %dot_general3A_88 {dimension_numbers = #tpu.dot_dimension_numbers<[1], [1], [0], [0], [0, 0, 1, 0], [], []>, transpose_lhs_hint = false} : vector<64x1536xf32>, vector<768x1536xf32>, vector<64x768xf32> -> vector<64x768xf32>
      %iota3A = tpu.iota {dimensions = array<i32: 0>} : vector<64x1xi32>
      %add3A_90 = vector.broadcast %multiple_of3A : i32 to vector<64x1xi32>
      %add3A_91 = arith.addi %add3A_90, %iota3A : vector<64x1xi32>
      %ge3A = vector.broadcast %get3A_0 : i32 to vector<64x1xi32>
      %ge3A_92 = arith.cmpi sge, %add3A_91, %ge3A : vector<64x1xi32>
      %lt3A = vector.broadcast %get3A_3 : i32 to vector<64x1xi32>
      %lt3A_93 = arith.cmpi slt, %add3A_91, %lt3A : vector<64x1xi32>
      %and3A_94 = arith.andi %ge3A_92, %lt3A_93 : vector<64x1xi1>
      %get3A_95 = arith.index_cast %multiple_of3A : i32 to index
      %get3A_96 = arith.constant 0 : index
      %get3A_97 = vector.load %arg6[%get3A_95, %get3A_96] : memref<2048x768xf32, #tpu.memory_space<vmem>>, vector<64x768xf32>
      %broadcast_in_dim3A = vector.shape_cast %and3A_94 : vector<64x1xi1> to vector<64x1xi1>
      %broadcast_in_dim3A_98 = vector.broadcast %broadcast_in_dim3A : vector<64x1xi1> to vector<64x768xi1>
      %select_n3A_99 = arith.select %broadcast_in_dim3A_98, %dot_general3A_89, %get3A_97 : vector<64x768xi1>, vector<64x768xf32>
      %swap3A = arith.index_cast %multiple_of3A : i32 to index
      %swap3A_100 = arith.constant 0 : index
      %swap3A_101 = vector.load %arg6[%swap3A, %swap3A_100] : memref<2048x768xf32, #tpu.memory_space<vmem>>, vector<64x768xf32>
      tpu.vector_store %arg6[%swap3A, %swap3A_100], %select_n3A_99 {strides = array<i32>} : memref<2048x768xf32, #tpu.memory_space<vmem>>, vector<64x768xf32>,
    }
    return
  }
  func.func @transform_0(%arg0: i32) -> i32 {
    %c0_i32 = arith.constant 0 : i32
    %c0_i32_0 = arith.constant 0 : i32
    return %c0_i32 : i32
  }
  func.func @transform_1(%arg0: i32) -> (i32, i32) {
    %c0_i32 = arith.constant 0 : i32
    %c0_i32_0 = arith.constant 0 : i32
    %c0_i32_1 = arith.constant 0 : i32
    return %c0_i32, %c0_i32_0 : i32, i32
  }
  func.func @transform_2(%arg0: i32) -> (i32, i32, i32) {
    %c0_i32 = arith.constant 0 : i32
    %c0_i32_0 = arith.constant 0 : i32
    %c0_i32_1 = arith.constant 0 : i32
    return %arg0, %c0_i32, %c0_i32_0 : i32, i32, i32
  }
  func.func @transform_3(%arg0: i32) -> (i32, i32, i32) {
    %c0_i32 = arith.constant 0 : i32
    %c0_i32_0 = arith.constant 0 : i32
    %c0_i32_1 = arith.constant 0 : i32
    return %arg0, %c0_i32, %c0_i32_0 : i32, i32, i32
  }
  func.func @transform_4(%arg0: i32) -> (i32, i32, i32) {
    %c0_i32 = arith.constant 0 : i32
    %c0_i32_0 = arith.constant 0 : i32
    %c0_i32_1 = arith.constant 0 : i32
    return %arg0, %c0_i32, %c0_i32_0 : i32, i32, i32
  }
  func.func @transform_5(%arg0: i32) -> (i32, i32) {
    %c0_i32 = arith.constant 0 : i32
    %c0_i32_0 = arith.constant 0 : i32
    %c0_i32_1 = arith.constant 0 : i32
    return %c0_i32, %c0_i32_0 : i32, i32
  }
}

module attributes {stable_mosaic.version = 14 : i64} {
  func.func @_router_body(%arg0: memref<2048x768xf32, #tpu.memory_space<vmem>>, %arg1: memref<64x768xf32, #tpu.memory_space<vmem>>, %arg2: memref<1x2048xi32, #tpu.memory_space<vmem>>, %arg3: memref<1x128xi32, #tpu.memory_space<vmem>>) attributes {dimension_semantics = [], scalar_prefetch = 0 : i64, scratch_operands = 0 : i64, tpu.core_type = #tpu.core_type<tc>} {
    %get3A = arith.constant 0 : index
    %get3A_0 = arith.constant 0 : index
    %get3A_1 = vector.load %arg1[%get3A, %get3A_0] : memref<64x768xf32, #tpu.memory_space<vmem>>, vector<64x768xf32>
    %get3A_2 = arith.constant 0 : index
    %get3A_3 = arith.constant 0 : index
    %get3A_4 = vector.load %arg0[%get3A_2, %get3A_3] : memref<2048x768xf32, #tpu.memory_space<vmem>>, vector<2048x768xf32>
    %dot_general3A = arith.constant dense<0.000000e+00> : vector<64x2048xf32>
    %dot_general3A_5 = tpu.matmul %get3A_1, %get3A_4, %dot_general3A {dimension_numbers = #tpu.dot_dimension_numbers<[1], [1], [0], [0], [0, 0, 1, 0], [], []>, transpose_lhs_hint = false} : vector<64x768xf32>, vector<2048x768xf32>, vector<64x2048xf32> -> vector<64x2048xf32>
    %reduce_max3A = arith.constant dense<0xFF800000> : vector<2048xf32>
    %reduce_max3A_6 = vector.multi_reduction <maximumf>, %dot_general3A_5, %reduce_max3A [0] : vector<64x2048xf32> to vector<2048xf32>
    %broadcast_in_dim3A = vector.shape_cast %reduce_max3A_6 : vector<2048xf32> to vector<1x2048xf32>
    %iota3A = tpu.iota {dimensions = array<i32: 0>} : vector<64x2048xi32>
    %eq3A = vector.broadcast %broadcast_in_dim3A : vector<1x2048xf32> to vector<64x2048xf32>
    %eq3A_7 = arith.cmpf oeq, %dot_general3A_5, %eq3A : vector<64x2048xf32>
    %jit3A = arith.constant 64 : i32
    %broadcast_in_dim3A_8 = vector.broadcast %jit3A : i32 to vector<64x2048xi32>
    %select_n3A = arith.select %eq3A_7, %iota3A, %broadcast_in_dim3A_8 : vector<64x2048xi1>, vector<64x2048xi32>
    %reduce_min3A = arith.constant dense<2147483647> : vector<2048xi32>
    %reduce_min3A_9 = vector.multi_reduction <minsi>, %select_n3A, %reduce_min3A [0] : vector<64x2048xi32> to vector<2048xi32>
    %broadcast_in_dim3A_10 = vector.shape_cast %reduce_min3A_9 : vector<2048xi32> to vector<1x2048xi32>
    %iota3A_11 = tpu.iota {dimensions = array<i32: 0>} : vector<128x2048xi32>
    %eq3A_12 = vector.broadcast %broadcast_in_dim3A_10 : vector<1x2048xi32> to vector<128x2048xi32>
    %eq3A_13 = arith.cmpi eq, %eq3A_12, %iota3A_11 : vector<128x2048xi32>
    %convert_element_type3A = arith.extui %eq3A_13 : vector<128x2048xi1> to vector<128x2048xi32>
    %convert_element_type3A_14 = arith.sitofp %convert_element_type3A : vector<128x2048xi32> to vector<128x2048xf32>
    %iota3A_15 = tpu.iota {dimensions = array<i32: 0>} : vector<128x128xi32>
    %iota3A_16 = tpu.iota {dimensions = array<i32: 1>} : vector<128x128xi32>
    %lt3A = arith.cmpi slt, %iota3A_15, %iota3A_16 : vector<128x128xi32>
    %convert_element_type3A_17 = arith.extui %lt3A : vector<128x128xi1> to vector<128x128xi32>
    %convert_element_type3A_18 = arith.sitofp %convert_element_type3A_17 : vector<128x128xi32> to vector<128x128xf32>
    %iota3A_19 = tpu.iota {dimensions = array<i32: 0>} : vector<16x16xi32>
    %iota3A_20 = tpu.iota {dimensions = array<i32: 1>} : vector<16x16xi32>
    %lt3A_21 = arith.cmpi slt, %iota3A_19, %iota3A_20 : vector<16x16xi32>
    %convert_element_type3A_22 = arith.extui %lt3A_21 : vector<16x16xi1> to vector<16x16xi32>
    %convert_element_type3A_23 = arith.sitofp %convert_element_type3A_22 : vector<16x16xi32> to vector<16x16xf32>
    %broadcast_in_dim3A_24 = arith.constant 1.000000e+00 : f32
    %broadcast_in_dim3A_25 = vector.broadcast %broadcast_in_dim3A_24 : f32 to vector<1x2048xf32>
    %dot_general3A_26 = arith.constant dense<0.000000e+00> : vector<1x128xf32>
    %dot_general3A_27 = tpu.matmul %broadcast_in_dim3A_25, %convert_element_type3A_14, %dot_general3A_26 {dimension_numbers = #tpu.dot_dimension_numbers<[1], [1], [0], [0], [0, 0, 1, 0], [], []>, transpose_lhs_hint = false} : vector<1x2048xf32>, vector<128x2048xf32>, vector<1x128xf32> -> vector<1x128xf32>
    %dot_general3A_28 = arith.constant dense<0.000000e+00> : vector<1x128xf32>
    %dot_general3A_29 = tpu.matmul %dot_general3A_27, %convert_element_type3A_18, %dot_general3A_28 {dimension_numbers = #tpu.dot_dimension_numbers<[1], [0], [0], [1], [0, 0, 1, 1], [], []>, precision = #tpu.contract_precision<fp32>, transpose_lhs_hint = false} : vector<1x128xf32>, vector<128x128xf32>, vector<1x128xf32> -> vector<1x128xf32>
    %slice3A = vector.extract_strided_slice %convert_element_type3A_14 {offsets = [0, 0], sizes = [64, 2048], strides = [1, 1]} : vector<128x2048xf32> to vector<64x2048xf32>
    %slice3A_30 = vector.extract_strided_slice %slice3A {offsets = [0, 0], sizes = [64, 128], strides = [1, 1]} : vector<64x2048xf32> to vector<64x128xf32>
    %dot_general3A_31 = arith.constant dense<0.000000e+00> : vector<64x128xf32>
    %dot_general3A_32 = tpu.matmul %slice3A_30, %convert_element_type3A_18, %dot_general3A_31 {dimension_numbers = #tpu.dot_dimension_numbers<[1], [0], [0], [1], [0, 0, 1, 1], [], []>, transpose_lhs_hint = false} : vector<64x128xf32>, vector<128x128xf32>, vector<64x128xf32> -> vector<64x128xf32>
    %slice3A_33 = vector.extract_strided_slice %slice3A {offsets = [0, 128], sizes = [64, 128], strides = [1, 1]} : vector<64x2048xf32> to vector<64x128xf32>
    %dot_general3A_34 = arith.constant dense<0.000000e+00> : vector<64x128xf32>
    %dot_general3A_35 = tpu.matmul %slice3A_33, %convert_element_type3A_18, %dot_general3A_34 {dimension_numbers = #tpu.dot_dimension_numbers<[1], [0], [0], [1], [0, 0, 1, 1], [], []>, transpose_lhs_hint = false} : vector<64x128xf32>, vector<128x128xf32>, vector<64x128xf32> -> vector<64x128xf32>
    %slice3A_36 = vector.extract_strided_slice %slice3A {offsets = [0, 256], sizes = [64, 128], strides = [1, 1]} : vector<64x2048xf32> to vector<64x128xf32>
    %dot_general3A_37 = arith.constant dense<0.000000e+00> : vector<64x128xf32>
    %dot_general3A_38 = tpu.matmul %slice3A_36, %convert_element_type3A_18, %dot_general3A_37 {dimension_numbers = #tpu.dot_dimension_numbers<[1], [0], [0], [1], [0, 0, 1, 1], [], []>, transpose_lhs_hint = false} : vector<64x128xf32>, vector<128x128xf32>, vector<64x128xf32> -> vector<64x128xf32>
    %slice3A_39 = vector.extract_strided_slice %slice3A {offsets = [0, 384], sizes = [64, 128], strides = [1, 1]} : vector<64x2048xf32> to vector<64x128xf32>
    %dot_general3A_40 = arith.constant dense<0.000000e+00> : vector<64x128xf32>
    %dot_general3A_41 = tpu.matmul %slice3A_39, %convert_element_type3A_18, %dot_general3A_40 {dimension_numbers = #tpu.dot_dimension_numbers<[1], [0], [0], [1], [0, 0, 1, 1], [], []>, transpose_lhs_hint = false} : vector<64x128xf32>, vector<128x128xf32>, vector<64x128xf32> -> vector<64x128xf32>
    %slice3A_42 = vector.extract_strided_slice %slice3A {offsets = [0, 512], sizes = [64, 128], strides = [1, 1]} : vector<64x2048xf32> to vector<64x128xf32>
    %dot_general3A_43 = arith.constant dense<0.000000e+00> : vector<64x128xf32>
    %dot_general3A_44 = tpu.matmul %slice3A_42, %convert_element_type3A_18, %dot_general3A_43 {dimension_numbers = #tpu.dot_dimension_numbers<[1], [0], [0], [1], [0, 0, 1, 1], [], []>, transpose_lhs_hint = false} : vector<64x128xf32>, vector<128x128xf32>, vector<64x128xf32> -> vector<64x128xf32>
    %slice3A_45 = vector.extract_strided_slice %slice3A {offsets = [0, 640], sizes = [64, 128], strides = [1, 1]} : vector<64x2048xf32> to vector<64x128xf32>
    %dot_general3A_46 = arith.constant dense<0.000000e+00> : vector<64x128xf32>
    %dot_general3A_47 = tpu.matmul %slice3A_45, %convert_element_type3A_18, %dot_general3A_46 {dimension_numbers = #tpu.dot_dimension_numbers<[1], [0], [0], [1], [0, 0, 1, 1], [], []>, transpose_lhs_hint = false} : vector<64x128xf32>, vector<128x128xf32>, vector<64x128xf32> -> vector<64x128xf32>
    %slice3A_48 = vector.extract_strided_slice %slice3A {offsets = [0, 768], sizes = [64, 128], strides = [1, 1]} : vector<64x2048xf32> to vector<64x128xf32>
    %dot_general3A_49 = arith.constant dense<0.000000e+00> : vector<64x128xf32>
    %dot_general3A_50 = tpu.matmul %slice3A_48, %convert_element_type3A_18, %dot_general3A_49 {dimension_numbers = #tpu.dot_dimension_numbers<[1], [0], [0], [1], [0, 0, 1, 1], [], []>, transpose_lhs_hint = false} : vector<64x128xf32>, vector<128x128xf32>, vector<64x128xf32> -> vector<64x128xf32>
    %slice3A_51 = vector.extract_strided_slice %slice3A {offsets = [0, 896], sizes = [64, 128], strides = [1, 1]} : vector<64x2048xf32> to vector<64x128xf32>
    %dot_general3A_52 = arith.constant dense<0.000000e+00> : vector<64x128xf32>
    %dot_general3A_53 = tpu.matmul %slice3A_51, %convert_element_type3A_18, %dot_general3A_52 {dimension_numbers = #tpu.dot_dimension_numbers<[1], [0], [0], [1], [0, 0, 1, 1], [], []>, transpose_lhs_hint = false} : vector<64x128xf32>, vector<128x128xf32>, vector<64x128xf32> -> vector<64x128xf32>
    %slice3A_54 = vector.extract_strided_slice %slice3A {offsets = [0, 1024], sizes = [64, 128], strides = [1, 1]} : vector<64x2048xf32> to vector<64x128xf32>
    %dot_general3A_55 = arith.constant dense<0.000000e+00> : vector<64x128xf32>
    %dot_general3A_56 = tpu.matmul %slice3A_54, %convert_element_type3A_18, %dot_general3A_55 {dimension_numbers = #tpu.dot_dimension_numbers<[1], [0], [0], [1], [0, 0, 1, 1], [], []>, transpose_lhs_hint = false} : vector<64x128xf32>, vector<128x128xf32>, vector<64x128xf32> -> vector<64x128xf32>
    %slice3A_57 = vector.extract_strided_slice %slice3A {offsets = [0, 1152], sizes = [64, 128], strides = [1, 1]} : vector<64x2048xf32> to vector<64x128xf32>
    %dot_general3A_58 = arith.constant dense<0.000000e+00> : vector<64x128xf32>
    %dot_general3A_59 = tpu.matmul %slice3A_57, %convert_element_type3A_18, %dot_general3A_58 {dimension_numbers = #tpu.dot_dimension_numbers<[1], [0], [0], [1], [0, 0, 1, 1], [], []>, transpose_lhs_hint = false} : vector<64x128xf32>, vector<128x128xf32>, vector<64x128xf32> -> vector<64x128xf32>
    %slice3A_60 = vector.extract_strided_slice %slice3A {offsets = [0, 1280], sizes = [64, 128], strides = [1, 1]} : vector<64x2048xf32> to vector<64x128xf32>
    %dot_general3A_61 = arith.constant dense<0.000000e+00> : vector<64x128xf32>
    %dot_general3A_62 = tpu.matmul %slice3A_60, %convert_element_type3A_18, %dot_general3A_61 {dimension_numbers = #tpu.dot_dimension_numbers<[1], [0], [0], [1], [0, 0, 1, 1], [], []>, transpose_lhs_hint = false} : vector<64x128xf32>, vector<128x128xf32>, vector<64x128xf32> -> vector<64x128xf32>
    %slice3A_63 = vector.extract_strided_slice %slice3A {offsets = [0, 1408], sizes = [64, 128], strides = [1, 1]} : vector<64x2048xf32> to vector<64x128xf32>
    %dot_general3A_64 = arith.constant dense<0.000000e+00> : vector<64x128xf32>
    %dot_general3A_65 = tpu.matmul %slice3A_63, %convert_element_type3A_18, %dot_general3A_64 {dimension_numbers = #tpu.dot_dimension_numbers<[1], [0], [0], [1], [0, 0, 1, 1], [], []>, transpose_lhs_hint = false} : vector<64x128xf32>, vector<128x128xf32>, vector<64x128xf32> -> vector<64x128xf32>
    %slice3A_66 = vector.extract_strided_slice %slice3A {offsets = [0, 1536], sizes = [64, 128], strides = [1, 1]} : vector<64x2048xf32> to vector<64x128xf32>
    %dot_general3A_67 = arith.constant dense<0.000000e+00> : vector<64x128xf32>
    %dot_general3A_68 = tpu.matmul %slice3A_66, %convert_element_type3A_18, %dot_general3A_67 {dimension_numbers = #tpu.dot_dimension_numbers<[1], [0], [0], [1], [0, 0, 1, 1], [], []>, transpose_lhs_hint = false} : vector<64x128xf32>, vector<128x128xf32>, vector<64x128xf32> -> vector<64x128xf32>
    %slice3A_69 = vector.extract_strided_slice %slice3A {offsets = [0, 1664], sizes = [64, 128], strides = [1, 1]} : vector<64x2048xf32> to vector<64x128xf32>
    %dot_general3A_70 = arith.constant dense<0.000000e+00> : vector<64x128xf32>
    %dot_general3A_71 = tpu.matmul %slice3A_69, %convert_element_type3A_18, %dot_general3A_70 {dimension_numbers = #tpu.dot_dimension_numbers<[1], [0], [0], [1], [0, 0, 1, 1], [], []>, transpose_lhs_hint = false} : vector<64x128xf32>, vector<128x128xf32>, vector<64x128xf32> -> vector<64x128xf32>
    %slice3A_72 = vector.extract_strided_slice %slice3A {offsets = [0, 1792], sizes = [64, 128], strides = [1, 1]} : vector<64x2048xf32> to vector<64x128xf32>
    %dot_general3A_73 = arith.constant dense<0.000000e+00> : vector<64x128xf32>
    %dot_general3A_74 = tpu.matmul %slice3A_72, %convert_element_type3A_18, %dot_general3A_73 {dimension_numbers = #tpu.dot_dimension_numbers<[1], [0], [0], [1], [0, 0, 1, 1], [], []>, transpose_lhs_hint = false} : vector<64x128xf32>, vector<128x128xf32>, vector<64x128xf32> -> vector<64x128xf32>
    %slice3A_75 = vector.extract_strided_slice %slice3A {offsets = [0, 1920], sizes = [64, 128], strides = [1, 1]} : vector<64x2048xf32> to vector<64x128xf32>
    %dot_general3A_76 = arith.constant dense<0.000000e+00> : vector<64x128xf32>
    %dot_general3A_77 = tpu.matmul %slice3A_75, %convert_element_type3A_18, %dot_general3A_76 {dimension_numbers = #tpu.dot_dimension_numbers<[1], [0], [0], [1], [0, 0, 1, 1], [], []>, transpose_lhs_hint = false} : vector<64x128xf32>, vector<128x128xf32>, vector<64x128xf32> -> vector<64x128xf32>
    %concatenate3A = tpu.concatenate %dot_general3A_32, %dot_general3A_35, %dot_general3A_38, %dot_general3A_41, %dot_general3A_44, %dot_general3A_47, %dot_general3A_50, %dot_general3A_53, %dot_general3A_56, %dot_general3A_59, %dot_general3A_62, %dot_general3A_65, %dot_general3A_68, %dot_general3A_71, %dot_general3A_74, %dot_general3A_77 in 1 : vector<64x128xf32>, vector<64x128xf32>, vector<64x128xf32>, vector<64x128xf32>, vector<64x128xf32>, vector<64x128xf32>, vector<64x128xf32>, vector<64x128xf32>, vector<64x128xf32>, vector<64x128xf32>, vector<64x128xf32>, vector<64x128xf32>, vector<64x128xf32>, vector<64x128xf32>, vector<64x128xf32>, vector<64x128xf32> -> vector<64x2048xf32>
    %iota3A_78 = tpu.iota {dimensions = array<i32: 0>} : vector<16x2048xi32>
    %iota3A_79 = tpu.iota {dimensions = array<i32: 1>} : vector<16x2048xi32>
    %jit3A_80 = arith.constant 128 : i32
    %div3A = vector.broadcast %jit3A_80 : i32 to vector<16x2048xi32>
    %div3A_81 = arith.divsi %iota3A_79, %div3A : vector<16x2048xi32>
    %sign3A = arith.constant 0 : i32
    %sign3A_82 = vector.broadcast %sign3A : i32 to vector<16x2048xi32>
    %sign3A_83 = arith.cmpi sgt, %iota3A_79, %sign3A_82 : vector<16x2048xi32>
    %sign3A_84 = arith.extui %sign3A_83 : vector<16x2048xi1> to vector<16x2048xi32>
    %sign3A_85 = arith.constant 0 : i32
    %sign3A_86 = vector.broadcast %sign3A_85 : i32 to vector<16x2048xi32>
    %sign3A_87 = arith.cmpi slt, %iota3A_79, %sign3A_86 : vector<16x2048xi32>
    %sign3A_88 = arith.extui %sign3A_87 : vector<16x2048xi1> to vector<16x2048xi32>
    %sign3A_89 = arith.subi %sign3A_84, %sign3A_88 : vector<16x2048xi32>
    %sign3A_90 = arith.constant 0 : i32
    %sign3A_91 = arith.cmpi sgt, %jit3A_80, %sign3A_90 : i32
    %sign3A_92 = arith.extui %sign3A_91 : i1 to i32
    %sign3A_93 = arith.constant 0 : i32
    %sign3A_94 = arith.cmpi slt, %jit3A_80, %sign3A_93 : i32
    %sign3A_95 = arith.extui %sign3A_94 : i1 to i32
    %sign3A_96 = arith.subi %sign3A_92, %sign3A_95 : i32
    %ne3A = vector.broadcast %sign3A_96 : i32 to vector<16x2048xi32>
    %ne3A_97 = arith.cmpi ne, %sign3A_89, %ne3A : vector<16x2048xi32>
    %rem3A = vector.broadcast %jit3A_80 : i32 to vector<16x2048xi32>
    %rem3A_98 = arith.remsi %iota3A_79, %rem3A : vector<16x2048xi32>
    %ne3A_99 = arith.constant 0 : i32
    %ne3A_100 = vector.broadcast %ne3A_99 : i32 to vector<16x2048xi32>
    %ne3A_101 = arith.cmpi ne, %rem3A_98, %ne3A_100 : vector<16x2048xi32>
    %and3A = arith.andi %ne3A_97, %ne3A_101 : vector<16x2048xi1>
    %sub3A = arith.constant 1 : i32
    %sub3A_102 = vector.broadcast %sub3A : i32 to vector<16x2048xi32>
    %sub3A_103 = arith.subi %div3A_81, %sub3A_102 : vector<16x2048xi32>
    %select_n3A_104 = arith.select %and3A, %sub3A_103, %div3A_81 : vector<16x2048xi1>, vector<16x2048xi32>
    %eq3A_105 = arith.cmpi eq, %iota3A_78, %select_n3A_104 : vector<16x2048xi32>
    %convert_element_type3A_106 = arith.extui %eq3A_105 : vector<16x2048xi1> to vector<16x2048xi32>
    %convert_element_type3A_107 = arith.sitofp %convert_element_type3A_106 : vector<16x2048xi32> to vector<16x2048xf32>
    %dot_general3A_108 = arith.constant dense<0.000000e+00> : vector<64x16xf32>
    %dot_general3A_109 = tpu.matmul %slice3A, %convert_element_type3A_107, %dot_general3A_108 {dimension_numbers = #tpu.dot_dimension_numbers<[1], [1], [0], [0], [0, 0, 1, 0], [], []>, transpose_lhs_hint = false} : vector<64x2048xf32>, vector<16x2048xf32>, vector<64x16xf32> -> vector<64x16xf32>
    %dot_general3A_110 = arith.constant dense<0.000000e+00> : vector<64x16xf32>
    %dot_general3A_111 = tpu.matmul %dot_general3A_109, %convert_element_type3A_23, %dot_general3A_110 {dimension_numbers = #tpu.dot_dimension_numbers<[1], [0], [0], [1], [0, 0, 1, 1], [], []>, precision = #tpu.contract_precision<fp32>, transpose_lhs_hint = false} : vector<64x16xf32>, vector<16x16xf32>, vector<64x16xf32> -> vector<64x16xf32>
    %dot_general3A_112 = arith.constant dense<0.000000e+00> : vector<64x2048xf32>
    %dot_general3A_113 = tpu.matmul %dot_general3A_111, %convert_element_type3A_107, %dot_general3A_112 {dimension_numbers = #tpu.dot_dimension_numbers<[1], [0], [0], [1], [0, 0, 1, 1], [], []>, precision = #tpu.contract_precision<fp32>, transpose_lhs_hint = false} : vector<64x16xf32>, vector<16x2048xf32>, vector<64x2048xf32> -> vector<64x2048xf32>
    %add3A = arith.addf %dot_general3A_113, %concatenate3A : vector<64x2048xf32>
    %mul3A = arith.mulf %slice3A, %add3A : vector<64x2048xf32>
    %reduce_sum3A = arith.constant dense<0.000000e+00> : vector<2048xf32>
    %reduce_sum3A_114 = vector.multi_reduction <add>, %mul3A, %reduce_sum3A [0] : vector<64x2048xf32> to vector<2048xf32>
    %broadcast_in_dim3A_115 = vector.shape_cast %reduce_sum3A_114 : vector<2048xf32> to vector<1x2048xf32>
    %dot_general3A_116 = arith.constant dense<0.000000e+00> : vector<1x2048xf32>
    %dot_general3A_117 = tpu.matmul %dot_general3A_29, %convert_element_type3A_14, %dot_general3A_116 {dimension_numbers = #tpu.dot_dimension_numbers<[1], [0], [0], [1], [0, 0, 1, 1], [], []>, precision = #tpu.contract_precision<fp32>, transpose_lhs_hint = false} : vector<1x128xf32>, vector<128x2048xf32>, vector<1x2048xf32> -> vector<1x2048xf32>
    %add3A_118 = arith.addf %dot_general3A_117, %broadcast_in_dim3A_115 : vector<1x2048xf32>
    %convert_element_type3A_119 = arith.fptosi %add3A_118 : vector<1x2048xf32> to vector<1x2048xi32>
    %swap3A = arith.constant 0 : index
    %swap3A_120 = arith.constant 0 : index
    %swap3A_121 = vector.load %arg2[%swap3A, %swap3A_120] : memref<1x2048xi32, #tpu.memory_space<vmem>>, vector<1x2048xi32>
    tpu.vector_store %arg2[%swap3A, %swap3A_120], %convert_element_type3A_119 {strides = array<i32>} : memref<1x2048xi32, #tpu.memory_space<vmem>>, vector<1x2048xi32>,
    %convert_element_type3A_122 = arith.fptosi %dot_general3A_29 : vector<1x128xf32> to vector<1x128xi32>
    %swap3A_123 = arith.constant 0 : index
    %swap3A_124 = arith.constant 0 : index
    %swap3A_125 = vector.load %arg3[%swap3A_123, %swap3A_124] : memref<1x128xi32, #tpu.memory_space<vmem>>, vector<1x128xi32>
    tpu.vector_store %arg3[%swap3A_123, %swap3A_124], %convert_element_type3A_122 {strides = array<i32>} : memref<1x128xi32, #tpu.memory_space<vmem>>, vector<1x128xi32>,
    return
  }
}

</mosaic_0001>

<sc_bundles>
// kernel: kernel.6.cloned.1.call-start
scs
__scs_entry_jumppad:
0x0: {  	(pc) =	sbr.rel $0x88, $3  }
0x1: {  	(tag) =	ssettag $0x0;
	lr =	simm.s32 $0x1  }
0x2: {  	[smem:$0x3F9C] =	sst lr;
	_ =	strace $0xD0000000  }
0x3: {  	_ = 	snop  }
0x4: {  	_ = 	snop  }
0x5: {  	_ = 	snop  }
0x6: {  	_ = 	snop  }
0x7: {  	_ = 	snop  }
__scs_overlays_trampoline_lowered:
0x8: {  	[smem:$0x3FAB] =	sst s0  }
0x9: {  	[smem:$0x3FAC] =	sst s1  }
0xa: {  	[smem:$0x3FAD] =	sst s2  }
0xb: {  	[smem:$0x3FAE] =	sst s3  }
0xc: {  	[smem:$0x3FAF] =	sst s4  }
0xd: {  	[smem:$0x3FB0] =	sst s5  }
0xe: {  	[smem:$0x3FB1] =	sst s6  }
0xf: {  	[smem:$0x3FB2] =	sst s7  }
0x10: {  	[smem:$0x3FB3] =	sst s8  }
0x11: {  	[smem:$0x3FB4] =	sst s9;
	s0 =	simm.s32 @!p0 $0x0  }
0x12: {  	s1 =	sld [smem:$0x3F9A];
	s0 =	simm.s32 @p0 $0x1  }
0x13: {  	[smem:$0x3FB5] =	sst s0;
	s0 =	simm.s32 @!p1 $0x0  }
0x14: {  	s2 =	sld [smem:$0x3F99];
	s0 =	simm.s32 @p1 $0x1  }
0x15: {  	[smem:$0x3FB6] =	sst s0;
	s0 =	simm.s32 @!p2 $0x0  }
0x16: {  	s3 =	sld [smem:$0x3FDB];
	s0 =	simm.s32 @p2 $0x1  }
0x17: {  	s4 =	simm.s32 $0x1BF5;
	[smem:$0x3FB8] =	sst s0  }
0x18: {  	s0 =	sld [smem:$0x3F9B];
	_ =	swait.ge [sflag:s4], $0x0  }
0x19: {  	s7 =	sld [smem:$0x3F9C]  }
0x1a: {  	s8 =	sadd.s32 $0xFFFFE003, lr  }
0x1b: {  	s9 =	sadd.s32 $0xFFFFFEF7, lr;
	s5 =	simm.s32 $0xFFFFFFFF;
	p2 =	slt.u32 s8, $0xFFFFF086  }
0x1c: {  	p1 =	slt.u32 s9, $0xF7A;
	s5 =	simm.s32 @!p2 $0x0  }
0x1d: {  	s5 =	simm.s32 @p1 $0x1;
	p0 =	seq.s32 s7, s2  }
0x1e: {  	s7 =	smul.u32 @!p0 $0xF7A, s2;
	p2 =	seq.s32 @!p0 s5, $0x0  }
0x1f: {  	s9 =	smul.u32 $0xF7A, s1;
	s8 =	simm.s32 @!p0 $0x1BF5;
	p2 =	por !p2, p0  }
0x20: {  	[sflag:s8] =	ssyncset.s32 @!p0 $0xFFFFF086;
	s6 =	sadd.s32 @!p0 s3, s7;
	s7 =	simm.s32 @!p0 $0x108  }
0x21: {  	s3 =	sadd.s32 s3, s9;
	s6 =	sadd.s32 @!p0 $0x88, s6;
	s7 =	simm.s32 @p2 $0x1082  }
0x22: {  	[simem:s7], [sflag:s8] =	dma.local @!p0 [hbm:s6], $0xF7A  }
0x23: {  	s9 =	sor.u32 $0xD0000000, s2;
	s6 =	simm.s32 $0x108;
	_ =	swait.ge @!p0 [sflag:s8], $0x0  }
0x24: {  	s3 =	sadd.s32 $0x88, s3;
	s6 =	simm.s32 @!p1 $0x1082;
	[sflag:s4] =	ssyncset.s32 $0xFFFFF086  }
0x25: {  	[simem:s6], [sflag:s4] =	dma.local [hbm:s3], $0xF7A  }
0x26: {  	[smem:$0x3F9C] =	sst s1;
	(tag) =	ssettag s2;
	_ =	strace s9  }
0x27: {  	s1 =	sld [smem:$0x3FAC]  }
0x28: {  	s2 =	sld [smem:$0x3FAD]  }
0x29: {  	s4 =	sld [smem:$0x3FAF]  }
0x2a: {  	p0 =	seq.s32 s5, $0x0;
	s5 =	sld [smem:$0x3FB0]  }
0x2b: {  	s6 =	sld [smem:$0x3FB1]  }
0x2c: {  	s7 =	sld [smem:$0x3FB2]  }
0x2d: {  	s3 =	simm.s32 $0x108;
	s8 =	sld [smem:$0x3FB3]  }
0x2e: {  	s3 =	simm.s32 @!p0 $0x1082;
	s9 =	sld [smem:$0x3FB4]  }
0x2f: {  	lr =	sadd.s32 s0, s3;
	s0 =	sld [smem:$0x3FAB]  }
0x30: {  	s3 =	sld [smem:$0x3FAE]  }
0x31: {  	[smem:$0x3FB7] =	sst s10  }
0x32: {  	s10 =	sld [smem:$0x3FB5];
	_ =	sdelay $0x3  }
0x33: {  	p0 =	seq.s32 s10, $0x1;
	s10 =	sld [smem:$0x3FB7];
	_ =	sdelay $0x3  }
0x34: {  	[smem:$0x3FB7] =	sst s10  }
0x35: {  	s10 =	sld [smem:$0x3FB6];
	_ =	sdelay $0x3  }
0x36: {  	p1 =	seq.s32 s10, $0x1;
	s10 =	sld [smem:$0x3FB7];
	_ =	sdelay $0x3  }
0x37: {  	[smem:$0x3FB7] =	sst s10  }
0x38: {  	s10 =	sld [smem:$0x3FB8]  }
0x39: {  	_ = 	snop;
	(pc) =	sbr.ind lr, $3  }
0x3a: {  	_ = 	snop  }
0x3b: {  	_ = 	snop  }
0x3c: {  	p2 =	seq.s32 s10, $0x1;
	s10 =	sld [smem:$0x3FB7]  }
0x3d: {  	_ =	shalt  }
0x3e: {  	_ =	shalt  }
0x3f: {  	_ =	shalt  }
0x40: {  	_ =	shalt  }
0x41: {  	_ =	shalt  }
0x42: {  	_ =	shalt  }
0x43: {  	_ =	shalt  }
0x44: {  	_ =	shalt  }
0x45: {  	_ =	shalt  }
0x46: {  	_ =	shalt  }
0x47: {  	_ =	shalt  }
0x48: {  	_ =	shalt  }
0x49: {  	_ =	shalt  }
0x4a: {  	_ =	shalt  }
0x4b: {  	_ =	shalt  }
0x4c: {  	_ =	shalt  }
0x4d: {  	_ =	shalt  }
0x4e: {  	_ =	shalt  }
0x4f: {  	_ =	shalt  }
0x50: {  	_ =	shalt  }
0x51: {  	_ =	shalt  }
0x52: {  	_ =	shalt  }
0x53: {  	_ =	shalt  }
0x54: {  	_ =	shalt  }
0x55: {  	_ =	shalt  }
0x56: {  	_ =	shalt  }
0x57: {  	_ =	shalt  }
0x58: {  	_ =	shalt  }
0x59: {  	_ =	shalt  }
0x5a: {  	_ =	shalt  }
0x5b: {  	_ =	shalt  }
0x5c: {  	_ =	shalt  }
0x5d: {  	_ =	shalt  }
0x5e: {  	_ =	shalt  }
0x5f: {  	_ =	shalt  }
0x60: {  	_ =	shalt  }
0x61: {  	_ =	shalt  }
0x62: {  	_ =	shalt  }
0x63: {  	_ =	shalt  }
0x64: {  	_ =	shalt  }
0x65: {  	_ =	shalt  }
0x66: {  	_ =	shalt  }
0x67: {  	_ =	shalt  }
0x68: {  	_ =	shalt  }
0x69: {  	_ =	shalt  }
0x6a: {  	_ =	shalt  }
0x6b: {  	_ =	shalt  }
0x6c: {  	_ =	shalt  }
0x6d: {  	_ =	shalt  }
0x6e: {  	_ =	shalt  }
0x6f: {  	_ =	shalt  }
0x70: {  	_ =	shalt  }
0x71: {  	_ =	shalt  }
0x72: {  	_ =	shalt  }
0x73: {  	_ =	shalt  }
0x74: {  	_ =	shalt  }
0x75: {  	_ =	shalt  }
0x76: {  	_ =	shalt  }
0x77: {  	_ =	shalt  }
0x78: {  	_ =	shalt  }
0x79: {  	_ =	shalt  }
0x7a: {  	_ =	shalt  }
0x7b: {  	_ =	shalt  }
0x7c: {  	_ =	shalt  }
0x7d: {  	_ =	shalt  }
0x7e: {  	_ =	shalt  }
0x7f: {  	_ =	shalt  }
0x80: {  	_ =	shalt  }
0x81: {  	_ =	shalt  }
0x82: {  	_ =	shalt  }
0x83: {  	_ =	shalt  }
0x84: {  	_ =	shalt  }
0x85: {  	_ =	shalt  }
0x86: {  	_ =	shalt  }
0x87: {  	_ =	shalt  }
.Lfunc_end0:
.L_simem_size_0:
called_computation_lowered:
.L_overlay_start_0:
0x88: {  	s2 =	sld [smem:$0x3FD9]  }
0x89: {  	s3 =	sld [smem:$0x3FFE];
	_ =	sdelay $0x1  }
0x8a: {  	s1 =	srdreg.scid  }
0x8b: {  	s0 =	sand.u32 $0x1, s1  }
0x8c: {  	s17 =	sshll.u32 s0, $0xA;
	s2 =	sadd.s32 s3, s2  }
0x8d: {  	s2 =	sadd.s32 s2, s17  }
0x8e: {  	[smem:$0x3FC3] =	sst s2  }
0x8f: {  	_ = 	snop  }
0x90: {  	s2 =	sld [smem:$0x3FC9]  }
0x91: {  	s18 =	sld [smem:$0x3FD0];
	(tm) =	ssettm $0x1  }
0x92: {  	s4 =	sld [smem:$0x3FFB];
	_ =	sdelay $0x3  }
0x93: {  	_ =	strace s4  }
0x94: {  	s4 =	sld [smem:$0x3FFC];
	_ =	sdelay $0x3  }
0x95: {  	_ =	strace s4  }
0x96: {  	s4 =	sld [smem:$0x3FFD];
	_ =	sdelay $0x3  }
0x97: {  	_ =	strace s4  }
0x98: {  	_ =	strace $0x8FFFFFFF  }
0x99: {  	s19 =	sld [smem:$0x3FDB];
	_ =	sdelay $0x1  }
0x9a: {  	s5 =	simm.s32 $_scs_section_size  }
0x9b: {  	s6 =	simm.s32 $_size__tile_overlayer_lowered;
	s7 =	simm.s32 $_tile_overlayer_lowered  }
0x9c: {  	s22 =	simm.s32 $0x1BFF;
	s21 =	sshll.u32 s7, $0x1;
	s4 =	sadd.s32 s5, s19  }
0x9d: {  	s8 =	simm.s32 $0x0;
	s20 =	sshll.u32 s6, $0x1;
	s6 =	sadd.s32 s21, s4  }
0x9e: {  	[timem:s8], [sflag:s22] =	dma.local [hbm:s6], s20  }
0x9f: {  	_ =	swait.ge [sflag:s22], s20  }
0xa0: {  	s5 =	ssub.s32 $0x0, s20;
	[sflag:s22] =	ssyncset.done $0x0  }
0xa1: {  	[sflag:s22] =	ssyncadd.s32 s5;
	_ =	sdelay $0x1  }
0xa2: {  	s23 =	simm.s32 $0x1B8B  }
0xa3: {  	_ =	swait.ge [sflag:s23], $0x1  }
0xa4: {  	[sflag:s23] =	ssyncset.done $0x0  }
0xa5: {  	s25 =	simm.s32 $0x1B8E;
	s24 =	sld [smem:$0x3FFE];
	[sflag:s23] =	ssyncadd.s32 $0xFFFFFFFF  }
0xa6: {  	s26 =	simm.s32 $execute0_lowered;
	[smem:$0x3FD2] =	sst s25  }
0xa7: {  	s6 =	sshll.u32 s26, $0x1;
	_ =	strace $0x80000046;
	[dreg:$0x1] =	wrdreg $0xFFFFFFFF  }
0xa8: {  	s28 =	simm.s32 $_size_execute0_lowered;
	s4 =	sadd.s32 s4, s6;
	[dreg:$0x0] =	wrdreg $0x0  }
0xa9: {  	s6 =	sshll.u32 s28, $0x1;
	[dreg:$0x2] =	wrdreg s4  }
0xaa: {  	[dreg:$0x3] =	wrdreg s6  }
0xab: {  	[dreg:$0x4] =	wrdreg $0xC0  }
0xac: {  	_ =	task [dreg:s8], $0x5FFFF  }
0xad: {  	[dreg:$0x1] =	wrdreg $0xFFFFFFFF  }
0xae: {  	[dreg:$0x0] =	wrdreg $0x60  }
0xaf: {  	[dreg:$0x2] =	wrdreg s2  }
0xb0: {  	[dreg:$0x3] =	wrdreg s24  }
0xb1: {  	[dreg:$0x4] =	wrdreg s18  }
0xb2: {  	[dreg:$0x5] =	wrdreg $0x9  }
0xb3: {  	_ =	task.clear_ibuf [dreg:s8], $0x6FFFF;
	_ =	strace $0x90000046  }
0xb4: {  	s29 =	simm.s32 $0x9;
	_ =	strace $0x80000048  }
0xb5: {  	_ =	swait.ge [sflag:s29], $0x1  }
0xb6: {  	[sflag:s29] =	ssyncadd.s32 $0xFFFFFFFF  }
0xb7: {  	_ =	strace $0x90000048  }
0xb8: {  	_ =	sfence  }
0xb9: {  	s30 =	sld [smem:$0x0];
	_ =	sdelay $0x2  }
0xba: {  	s31 =	sshll.u32 s1, $0xD;
	s1 =	sshrl.u32 s1, $0x2  }
0xbb: {  	s3 =	sand.u32 $0x4000, s31;
	s1 =	sadd.s32 s1, s30  }
0xbc: {  	s0 =	sor.u32 s3, s0;
	s1 =	sshll.u32 s1, $0x11  }
0xbd: {  	s0 =	sor.u32 s1, s0  }
0xbe: {  	s0 =	sadd.s32 $0x8F2B, s0  }
0xbf: {  	[sflag:s0] =	ssyncadd.remote.s32 $0x1  }
0xc0: {  	_ =	sfence.sel $0xFFFF  }
0xc1: {  	[dreg:$0x0] =	wrdreg $0xFFFFFFFF;
	(pc) =	sbr.abs _section_cstart, $3  }
0xc2: {  	[dreg:$0x1] =	wrdreg $0xFFFFFFFF  }
0xc3: {  	_ =	task.clear_ibuf [dreg:s8], $0x2FFFF;
	_ =	strace $0x9FFFFFFF  }
0xc4: {  	(tm) =	ssettm $0x7FFFFFFF  }
0xc5: {  	_ =	shalt  }
tec
execute0_lowered:
.L_overlay_start_1:
0x0: {  	(tag) =	ssettag $0x1  }
0x1: {  	s1 =	rddreg [dreg:$0x0]  }
0x2: {  	s2 =	srdreg.scid;
	s4 =	rddreg [dreg:$0x1]  }
0x3: {  	s0 =	stileid.u32;
	s3 =	simm.s32 $0x0;
	s8 =	simm.s32 $0x80  }
0x4: {  	s26 =	simm.s32 $0x880;
	s9 =	simm.s32 $0x1080;
	s10 =	simm.s32 $0x1880  }
0x5: {  	s11 =	simm.s32 $0x2080;
	s12 =	simm.s32 $0x2880;
	s13 =	simm.s32 $0x3080  }
0x6: {  	s14 =	simm.s32 $0x3880;
	s15 =	simm.s32 $0x4080;
	s16 =	simm.s32 $0x4880  }
0x7: {  	s17 =	simm.s32 $0x5080;
	s18 =	simm.s32 $0x5880;
	s19 =	simm.s32 $0x6080  }
0x8: {  	s20 =	simm.s32 $0x6880;
	s21 =	simm.s32 $0x7080;
	s22 =	simm.s32 $0x7880  }
0x9: {  	s23 =	simm.s32 $0x8080;
	s28 =	simm.s32 $0xA080;
	s29 =	simm.s32 $0xA880  }
0xa: {  	s30 =	simm.s32 $0xB080;
	s5 =	sand.u32 $0x1, s2;
	s2 =	rddreg [dreg:$0x2]  }
0xb: {  	s31 =	simm.s32 $0xB880;
	s6 =	sshll.u32 s0, $0x4;
	[smem:$0x7FF] =	sst s3  }
0xc: {  	s7 =	sshll.u32 s5, $0x3;
	_ =	strace $0x80000047;
	s5 =	ssub.s32 $0x2, s5  }
0xd: {  	[dreg:$0x6] =	wrdreg s26;
	s26 =	simm.s32 $0x9880;
	s6 =	sor.u32 s7, s6  }
0xe: {  	s24 =	sshrl.u32 s5, $0x1;
	s7 =	simm.s32 $0x2;
	s4 =	sadd.s32 s6, s4  }
0xf: {  	s6 =	smul.u32 $0x300, s6;
	s25 =	ssub.s32 s5, s24;
	s4 =	sadd.s32 $0x1400, s4  }
0x10: {  	v2 =	vlaneseq.u32;
	s5 =	sadd.s32 $0x200, s2;
	s24 =	simm.s32 $0x8880;
	[dreg:$0x4] =	wrdreg s4  }
0x11: {  	vm0 =	vmmov $0xffff;
	v1 =	vshrl.u32 v2, $0x3;
	s1 =	sadd.s32 s1, s6;
	s4 =	sadd.s32 $0x100, s2;
	s6 =	smax.u32 s25, $0x1  }
0x12: {  	v0 =	vand.u32 $0x7, v2;
	v2 =	vor.u32 $0x8, v2;
	v1 =	vmul.u32 $0x8, v1;
	s25 =	simm.s32 $0x9080;
	[dreg:$0x5] =	wrdreg s1;
	s1 =	simm.s32 $0x1  }
.LBB2_1:
0x13: {  	s0 =	rddreg [dreg:$0x4]  }
0x14: {  	[tilespmem:s3], [sflag:$0x2] =	stream.linear.gather [hbm4b:s0+s3], $0x40, $0x38;
	[tilespmem:$0xC080] =	vst v63  }
0x15: {  	_ =	swait.ge [sflag:s7], $0x40  }
0x16: {  	[sflag:s7] =	ssyncset.done $0x0  }
0x17: {  	s0 =	rddreg [dreg:$0x5];
	[sflag:s7] =	ssyncadd.s32 $0xFFFFFFC0  }
0x18: {  	[tilespmem:s8], [sflag:$0x2] =	stream.linear.gather [hbm4b:s0+s3], $0xC000, $0x38;
	[tilespmem:$0xC080] =	vst v63  }
0x19: {  	_ =	swait.ge [sflag:s7], $0xC000  }
0x1a: {  	[sflag:s7] =	ssyncset.done $0x0  }
0x1b: {  	[sflag:s7] =	ssyncadd.s32 $0xFFFF4000  }
0x1c: {  	v3 =	vld [tilespmem:$0x0];
	_ =	sdelay $0x4  }
0x1d: {  	v4 =	vshrl.u32 v3, $0x3  }
0x1e: {  	v4 =	vmul.u32 $0x30, v4  }
0x1f: {  	v3 =	vand.u32 $0x7, v3  }
0x20: {  	v3 =	vor.u32 v3, v4  }
0x21: {  	v4 =	vperm.xlane v3, v0;
	_ =	sdelay $0x1  }
0x22: {  	v4 =	vadd.s32 v1, v4;
	_ =	sdelay $0x3  }
0x23: {  	v3 =	vperm.xlane v3, v2  }
0x24: {  	[hbm4b:s2+s3] =	stream.indirect_vreg.scatter [tilespmem:s8], [sflag:$0x1], $0x80, v4, vm0, $0xb8;
	[tilespmem:$0xC080] =	vst v63  }
0x25: {  	s0 =	rddreg [dreg:$0x6];
	v3 =	vadd.s32 v1, v3  }
0x26: {  	[hbm4b:s4+s3] =	stream.indirect_vreg.scatter [tilespmem:s0], [sflag:$0x1], $0x80, v4, vm0, $0xb8;
	[tilespmem:$0xC080] =	vst v63  }
0x27: {  	_ = 	snop  }
0x28: {  	[hbm4b:s5+s3] =	stream.indirect_vreg.scatter [tilespmem:s9], [sflag:$0x1], $0x80, v4, vm0, $0xb8;
	[tilespmem:$0xC080] =	vst v63  }
0x29: {  	_ = 	snop  }
0x2a: {  	[hbm4b:s2+s3] =	stream.indirect_vreg.scatter [tilespmem:s10], [sflag:$0x1], $0x80, v3, vm0, $0xb8;
	[tilespmem:$0xC080] =	vst v63  }
0x2b: {  	_ = 	snop  }
0x2c: {  	[hbm4b:s4+s3] =	stream.indirect_vreg.scatter [tilespmem:s11], [sflag:$0x1], $0x80, v3, vm0, $0xb8;
	[tilespmem:$0xC080] =	vst v63  }
0x2d: {  	_ = 	snop  }
0x2e: {  	[hbm4b:s5+s3] =	stream.indirect_vreg.scatter [tilespmem:s12], [sflag:$0x1], $0x80, v3, vm0, $0xb8;
	[tilespmem:$0xC080] =	vst v63  }
0x2f: {  	v3 =	vld [tilespmem:$0x10];
	_ =	sdelay $0x4  }
0x30: {  	v61 =	vshrl.u32 v3, $0x3  }
0x31: {  	v4 =	vmul.u32 $0x30, v61  }
0x32: {  	v3 =	vand.u32 $0x7, v3  }
0x33: {  	v3 =	vor.u32 v3, v4  }
0x34: {  	v4 =	vperm.xlane v3, v0;
	_ =	sdelay $0x1  }
0x35: {  	v4 =	vadd.s32 v1, v4;
	_ =	sdelay $0x3  }
0x36: {  	v3 =	vperm.xlane v3, v2  }
0x37: {  	[hbm4b:s2+s3] =	stream.indirect_vreg.scatter [tilespmem:s13], [sflag:$0x1], $0x80, v4, vm0, $0xb8;
	[tilespmem:$0xC080] =	vst v63  }
0x38: {  	v3 =	vadd.s32 v1, v3  }
0x39: {  	[hbm4b:s4+s3] =	stream.indirect_vreg.scatter [tilespmem:s14], [sflag:$0x1], $0x80, v4, vm0, $0xb8;
	[tilespmem:$0xC080] =	vst v63  }
0x3a: {  	_ = 	snop  }
0x3b: {  	[hbm4b:s5+s3] =	stream.indirect_vreg.scatter [tilespmem:s15], [sflag:$0x1], $0x80, v4, vm0, $0xb8;
	[tilespmem:$0xC080] =	vst v63  }
0x3c: {  	_ = 	snop  }
0x3d: {  	[hbm4b:s2+s3] =	stream.indirect_vreg.scatter [tilespmem:s16], [sflag:$0x1], $0x80, v3, vm0, $0xb8;
	[tilespmem:$0xC080] =	vst v63  }
0x3e: {  	_ = 	snop  }
0x3f: {  	[hbm4b:s4+s3] =	stream.indirect_vreg.scatter [tilespmem:s17], [sflag:$0x1], $0x80, v3, vm0, $0xb8;
	[tilespmem:$0xC080] =	vst v63  }
0x40: {  	_ = 	snop  }
0x41: {  	[hbm4b:s5+s3] =	stream.indirect_vreg.scatter [tilespmem:s18], [sflag:$0x1], $0x80, v3, vm0, $0xb8;
	[tilespmem:$0xC080] =	vst v63  }
0x42: {  	v3 =	vld [tilespmem:$0x20];
	_ =	sdelay $0x4  }
0x43: {  	v62 =	vshrl.u32 v3, $0x3  }
0x44: {  	v4 =	vmul.u32 $0x30, v62  }
0x45: {  	v3 =	vand.u32 $0x7, v3  }
0x46: {  	v3 =	vor.u32 v3, v4  }
0x47: {  	v4 =	vperm.xlane v3, v0;
	_ =	sdelay $0x1  }
0x48: {  	v4 =	vadd.s32 v1, v4;
	_ =	sdelay $0x3  }
0x49: {  	v3 =	vperm.xlane v3, v2  }
0x4a: {  	[hbm4b:s2+s3] =	stream.indirect_vreg.scatter [tilespmem:s19], [sflag:$0x1], $0x80, v4, vm0, $0xb8;
	[tilespmem:$0xC080] =	vst v63  }
0x4b: {  	v3 =	vadd.s32 v1, v3  }
0x4c: {  	[hbm4b:s4+s3] =	stream.indirect_vreg.scatter [tilespmem:s20], [sflag:$0x1], $0x80, v4, vm0, $0xb8;
	[tilespmem:$0xC080] =	vst v63  }
0x4d: {  	_ = 	snop  }
0x4e: {  	[hbm4b:s5+s3] =	stream.indirect_vreg.scatter [tilespmem:s21], [sflag:$0x1], $0x80, v4, vm0, $0xb8;
	[tilespmem:$0xC080] =	vst v63  }
0x4f: {  	_ = 	snop  }
0x50: {  	[hbm4b:s2+s3] =	stream.indirect_vreg.scatter [tilespmem:s22], [sflag:$0x1], $0x80, v3, vm0, $0xb8;
	[tilespmem:$0xC080] =	vst v63  }
0x51: {  	_ = 	snop  }
0x52: {  	[hbm4b:s4+s3] =	stream.indirect_vreg.scatter [tilespmem:s23], [sflag:$0x1], $0x80, v3, vm0, $0xb8;
	[tilespmem:$0xC080] =	vst v63  }
0x53: {  	_ = 	snop  }
0x54: {  	[hbm4b:s5+s3] =	stream.indirect_vreg.scatter [tilespmem:s24], [sflag:$0x1], $0x80, v3, vm0, $0xb8;
	[tilespmem:$0xC080] =	vst v63  }
0x55: {  	v3 =	vld [tilespmem:$0x30];
	_ =	sdelay $0x4  }
0x56: {  	v63 =	vshrl.u32 v3, $0x3  }
0x57: {  	v4 =	vmul.u32 $0x30, v63  }
0x58: {  	v3 =	vand.u32 $0x7, v3  }
0x59: {  	v3 =	vor.u32 v3, v4  }
0x5a: {  	v4 =	vperm.xlane v3, v0;
	_ =	sdelay $0x1  }
0x5b: {  	v4 =	vadd.s32 v1, v4;
	_ =	sdelay $0x3  }
0x5c: {  	v3 =	vperm.xlane v3, v2  }
0x5d: {  	[hbm4b:s2+s3] =	stream.indirect_vreg.scatter [tilespmem:s25], [sflag:$0x1], $0x80, v4, vm0, $0xb8;
	[tilespmem:$0xC080] =	vst v63  }
0x5e: {  	v3 =	vadd.s32 v1, v3  }
0x5f: {  	[hbm4b:s4+s3] =	stream.indirect_vreg.scatter [tilespmem:s26], [sflag:$0x1], $0x80, v4, vm0, $0xb8;
	[tilespmem:$0xC080] =	vst v63  }
0x60: {  	_ = 	snop  }
0x61: {  	[hbm4b:s5+s3] =	stream.indirect_vreg.scatter [tilespmem:s28], [sflag:$0x1], $0x80, v4, vm0, $0xb8;
	[tilespmem:$0xC080] =	vst v63  }
0x62: {  	_ = 	snop  }
0x63: {  	[hbm4b:s2+s3] =	stream.indirect_vreg.scatter [tilespmem:s29], [sflag:$0x1], $0x80, v3, vm0, $0xb8;
	[tilespmem:$0xC080] =	vst v63  }
0x64: {  	p0 =	sne.s32 s6, $0x1  }
0x65: {  	[hbm4b:s4+s3] =	stream.indirect_vreg.scatter [tilespmem:s30], [sflag:$0x1], $0x80, v3, vm0, $0xb8;
	[tilespmem:$0xC080] =	vst v63  }
.Ltmp0:
0x66: {  	_ = 	snop;
	(pc) =	sbr.rel @p0 .LBB2_1-.Ltmp0, $4  }
0x67: {  	[hbm4b:s5+s3] =	stream.indirect_vreg.scatter [tilespmem:s31], [sflag:$0x1], $0x80, v3, vm0, $0xb8;
	[tilespmem:$0xC080] =	vst v63  }
0x68: {  	_ =	swait.ge [sflag:s1], $0xC000  }
0x69: {  	[sflag:s1] =	ssyncset.done $0x0  }
0x6a: {  	s6 =	sadd.s32 $0xFFFFFFFF, s6;
	[sflag:s1] =	ssyncadd.s32 $0xFFFF4000  }
0x6b: {  	_ =	sfence.sel $0x180000  }
0x6c: {  	[bflag:$0x0] =	sbarrier.arrive $0xFFFF  }
0x6d: {  	_ =	strace $0x90000047  }
0x6e: {  	s0 =	stileid.u32;
	[bflag:$0x2] =	sbarrier.arrive $0xFFFF  }
0x6f: {  	p0 =	sne.s32 s0, $0x0;
	s0 =	rddreg [dreg:$0x3]  }
0x70: {  	s0 =	sadd.s32 @!p0 $0x100000, s0  }
0x71: {  	[sflag:s0] =	ssyncadd.tile.s32 @!p0 $0x1;
	_ =	shalt  }
.Lfunc_end2:
_tile_overlayer_lowered:
.L_overlay_start_2:
0x72: {  	(tag) =	ssettag $0x2  }
0x73: {  	s0 =	rddreg [dreg:$0x0];
	s2 =	stileid.u32  }
0x74: {  	s1 =	rddreg [dreg:$0x1];
	p0 =	sne.s32 s2, $0x0  }
0x75: {  	s3 =	rddreg [dreg:$0x2];
	[bflag:$0x3] =	sbarrier.arrive $0xFFFF;
	s2 =	simm.s32 @!p0 $0x1C02  }
0x76: {  	[timem:s3], [sflag:s2] =	dma.local @!p0 [hbm:s0], s1  }
0x77: {  	s0 =	simm.s32 @!p0 $0x2  }
0x78: {  	_ =	swait.ge @!p0 [sflag:s0], s1  }
0x79: {  	s1 =	ssub.s32 @!p0 $0x0, s1;
	[sflag:s0] =	ssyncset.done @!p0 $0x0  }
0x7a: {  	[sflag:s0] =	ssyncadd.s32 @!p0 s1  }
0x7b: {  	[bflag:$0x3] =	sbarrier.arrive $0xFFFF  }
0x7c: {  	_ =	shalt  }

// kernel: kernel.9.cloned.1.call-start
scs
__scs_entry_jumppad:
0x0: {  	(pc) =	sbr.rel $0x88, $3  }
0x1: {  	(tag) =	ssettag $0x0;
	lr =	simm.s32 $0x1  }
0x2: {  	[smem:$0x3F9C] =	sst lr;
	_ =	strace $0xD0000000  }
0x3: {  	_ = 	snop  }
0x4: {  	_ = 	snop  }
0x5: {  	_ = 	snop  }
0x6: {  	_ = 	snop  }
0x7: {  	_ = 	snop  }
__scs_overlays_trampoline_lowered:
0x8: {  	[smem:$0x3FAB] =	sst s0  }
0x9: {  	[smem:$0x3FAC] =	sst s1  }
0xa: {  	[smem:$0x3FAD] =	sst s2  }
0xb: {  	[smem:$0x3FAE] =	sst s3  }
0xc: {  	[smem:$0x3FAF] =	sst s4  }
0xd: {  	[smem:$0x3FB0] =	sst s5  }
0xe: {  	[smem:$0x3FB1] =	sst s6  }
0xf: {  	[smem:$0x3FB2] =	sst s7  }
0x10: {  	[smem:$0x3FB3] =	sst s8  }
0x11: {  	[smem:$0x3FB4] =	sst s9;
	s0 =	simm.s32 @!p0 $0x0  }
0x12: {  	s1 =	sld [smem:$0x3F9A];
	s0 =	simm.s32 @p0 $0x1  }
0x13: {  	[smem:$0x3FB5] =	sst s0;
	s0 =	simm.s32 @!p1 $0x0  }
0x14: {  	s2 =	sld [smem:$0x3F99];
	s0 =	simm.s32 @p1 $0x1  }
0x15: {  	[smem:$0x3FB6] =	sst s0;
	s0 =	simm.s32 @!p2 $0x0  }
0x16: {  	s3 =	sld [smem:$0x3FDB];
	s0 =	simm.s32 @p2 $0x1  }
0x17: {  	s4 =	simm.s32 $0x1BF5;
	[smem:$0x3FB8] =	sst s0  }
0x18: {  	s0 =	sld [smem:$0x3F9B];
	_ =	swait.ge [sflag:s4], $0x0  }
0x19: {  	s7 =	sld [smem:$0x3F9C]  }
0x1a: {  	s8 =	sadd.s32 $0xFFFFE003, lr  }
0x1b: {  	s9 =	sadd.s32 $0xFFFFFEF7, lr;
	s5 =	simm.s32 $0xFFFFFFFF;
	p2 =	slt.u32 s8, $0xFFFFF086  }
0x1c: {  	p1 =	slt.u32 s9, $0xF7A;
	s5 =	simm.s32 @!p2 $0x0  }
0x1d: {  	s5 =	simm.s32 @p1 $0x1;
	p0 =	seq.s32 s7, s2  }
0x1e: {  	s7 =	smul.u32 @!p0 $0xF7A, s2;
	p2 =	seq.s32 @!p0 s5, $0x0  }
0x1f: {  	s9 =	smul.u32 $0xF7A, s1;
	s8 =	simm.s32 @!p0 $0x1BF5;
	p2 =	por !p2, p0  }
0x20: {  	[sflag:s8] =	ssyncset.s32 @!p0 $0xFFFFF086;
	s6 =	sadd.s32 @!p0 s3, s7;
	s7 =	simm.s32 @!p0 $0x108  }
0x21: {  	s3 =	sadd.s32 s3, s9;
	s6 =	sadd.s32 @!p0 $0x88, s6;
	s7 =	simm.s32 @p2 $0x1082  }
0x22: {  	[simem:s7], [sflag:s8] =	dma.local @!p0 [hbm:s6], $0xF7A  }
0x23: {  	s9 =	sor.u32 $0xD0000000, s2;
	s6 =	simm.s32 $0x108;
	_ =	swait.ge @!p0 [sflag:s8], $0x0  }
0x24: {  	s3 =	sadd.s32 $0x88, s3;
	s6 =	simm.s32 @!p1 $0x1082;
	[sflag:s4] =	ssyncset.s32 $0xFFFFF086  }
0x25: {  	[simem:s6], [sflag:s4] =	dma.local [hbm:s3], $0xF7A  }
0x26: {  	[smem:$0x3F9C] =	sst s1;
	(tag) =	ssettag s2;
	_ =	strace s9  }
0x27: {  	s1 =	sld [smem:$0x3FAC]  }
0x28: {  	s2 =	sld [smem:$0x3FAD]  }
0x29: {  	s4 =	sld [smem:$0x3FAF]  }
0x2a: {  	p0 =	seq.s32 s5, $0x0;
	s5 =	sld [smem:$0x3FB0]  }
0x2b: {  	s6 =	sld [smem:$0x3FB1]  }
0x2c: {  	s7 =	sld [smem:$0x3FB2]  }
0x2d: {  	s3 =	simm.s32 $0x108;
	s8 =	sld [smem:$0x3FB3]  }
0x2e: {  	s3 =	simm.s32 @!p0 $0x1082;
	s9 =	sld [smem:$0x3FB4]  }
0x2f: {  	lr =	sadd.s32 s0, s3;
	s0 =	sld [smem:$0x3FAB]  }
0x30: {  	s3 =	sld [smem:$0x3FAE]  }
0x31: {  	[smem:$0x3FB7] =	sst s10  }
0x32: {  	s10 =	sld [smem:$0x3FB5];
	_ =	sdelay $0x3  }
0x33: {  	p0 =	seq.s32 s10, $0x1;
	s10 =	sld [smem:$0x3FB7];
	_ =	sdelay $0x3  }
0x34: {  	[smem:$0x3FB7] =	sst s10  }
0x35: {  	s10 =	sld [smem:$0x3FB6];
	_ =	sdelay $0x3  }
0x36: {  	p1 =	seq.s32 s10, $0x1;
	s10 =	sld [smem:$0x3FB7];
	_ =	sdelay $0x3  }
0x37: {  	[smem:$0x3FB7] =	sst s10  }
0x38: {  	s10 =	sld [smem:$0x3FB8]  }
0x39: {  	_ = 	snop;
	(pc) =	sbr.ind lr, $3  }
0x3a: {  	_ = 	snop  }
0x3b: {  	_ = 	snop  }
0x3c: {  	p2 =	seq.s32 s10, $0x1;
	s10 =	sld [smem:$0x3FB7]  }
0x3d: {  	_ =	shalt  }
0x3e: {  	_ =	shalt  }
0x3f: {  	_ =	shalt  }
0x40: {  	_ =	shalt  }
0x41: {  	_ =	shalt  }
0x42: {  	_ =	shalt  }
0x43: {  	_ =	shalt  }
0x44: {  	_ =	shalt  }
0x45: {  	_ =	shalt  }
0x46: {  	_ =	shalt  }
0x47: {  	_ =	shalt  }
0x48: {  	_ =	shalt  }
0x49: {  	_ =	shalt  }
0x4a: {  	_ =	shalt  }
0x4b: {  	_ =	shalt  }
0x4c: {  	_ =	shalt  }
0x4d: {  	_ =	shalt  }
0x4e: {  	_ =	shalt  }
0x4f: {  	_ =	shalt  }
0x50: {  	_ =	shalt  }
0x51: {  	_ =	shalt  }
0x52: {  	_ =	shalt  }
0x53: {  	_ =	shalt  }
0x54: {  	_ =	shalt  }
0x55: {  	_ =	shalt  }
0x56: {  	_ =	shalt  }
0x57: {  	_ =	shalt  }
0x58: {  	_ =	shalt  }
0x59: {  	_ =	shalt  }
0x5a: {  	_ =	shalt  }
0x5b: {  	_ =	shalt  }
0x5c: {  	_ =	shalt  }
0x5d: {  	_ =	shalt  }
0x5e: {  	_ =	shalt  }
0x5f: {  	_ =	shalt  }
0x60: {  	_ =	shalt  }
0x61: {  	_ =	shalt  }
0x62: {  	_ =	shalt  }
0x63: {  	_ =	shalt  }
0x64: {  	_ =	shalt  }
0x65: {  	_ =	shalt  }
0x66: {  	_ =	shalt  }
0x67: {  	_ =	shalt  }
0x68: {  	_ =	shalt  }
0x69: {  	_ =	shalt  }
0x6a: {  	_ =	shalt  }
0x6b: {  	_ =	shalt  }
0x6c: {  	_ =	shalt  }
0x6d: {  	_ =	shalt  }
0x6e: {  	_ =	shalt  }
0x6f: {  	_ =	shalt  }
0x70: {  	_ =	shalt  }
0x71: {  	_ =	shalt  }
0x72: {  	_ =	shalt  }
0x73: {  	_ =	shalt  }
0x74: {  	_ =	shalt  }
0x75: {  	_ =	shalt  }
0x76: {  	_ =	shalt  }
0x77: {  	_ =	shalt  }
0x78: {  	_ =	shalt  }
0x79: {  	_ =	shalt  }
0x7a: {  	_ =	shalt  }
0x7b: {  	_ =	shalt  }
0x7c: {  	_ =	shalt  }
0x7d: {  	_ =	shalt  }
0x7e: {  	_ =	shalt  }
0x7f: {  	_ =	shalt  }
0x80: {  	_ =	shalt  }
0x81: {  	_ =	shalt  }
0x82: {  	_ =	shalt  }
0x83: {  	_ =	shalt  }
0x84: {  	_ =	shalt  }
0x85: {  	_ =	shalt  }
0x86: {  	_ =	shalt  }
0x87: {  	_ =	shalt  }
.Lfunc_end0:
.L_simem_size_0:
called_computation.1_lowered:
.L_overlay_start_0:
0x88: {  	s2 =	sld [smem:$0x3FD9]  }
0x89: {  	s3 =	sld [smem:$0x3FFE];
	_ =	sdelay $0x1  }
0x8a: {  	s1 =	srdreg.scid  }
0x8b: {  	s0 =	sand.u32 $0x1, s1  }
0x8c: {  	s17 =	sshll.u32 s0, $0xA;
	s2 =	sadd.s32 s3, s2  }
0x8d: {  	s2 =	sadd.s32 s2, s17  }
0x8e: {  	[smem:$0x3FC3] =	sst s2  }
0x8f: {  	_ = 	snop  }
0x90: {  	s2 =	sld [smem:$0x3FD0];
	(tm) =	ssettm $0x1  }
0x91: {  	s18 =	sld [smem:$0x3FFB];
	_ =	sdelay $0x3  }
0x92: {  	_ =	strace s18  }
0x93: {  	s3 =	sld [smem:$0x3FFC];
	_ =	sdelay $0x3  }
0x94: {  	_ =	strace s3  }
0x95: {  	s3 =	sld [smem:$0x3FFD];
	_ =	sdelay $0x3  }
0x96: {  	_ =	strace s3  }
0x97: {  	_ =	strace $0x8FFFFFFF  }
0x98: {  	s19 =	sld [smem:$0x3FDB];
	_ =	sdelay $0x1  }
0x99: {  	s4 =	simm.s32 $_scs_section_size  }
0x9a: {  	s5 =	simm.s32 $_size__tile_overlayer_lowered;
	s6 =	simm.s32 $_tile_overlayer_lowered  }
0x9b: {  	s22 =	simm.s32 $0x1BFF;
	s21 =	sshll.u32 s6, $0x1;
	s3 =	sadd.s32 s4, s19  }
0x9c: {  	s7 =	simm.s32 $0x0;
	s20 =	sshll.u32 s5, $0x1;
	s5 =	sadd.s32 s21, s3  }
0x9d: {  	[timem:s7], [sflag:s22] =	dma.local [hbm:s5], s20  }
0x9e: {  	_ =	swait.ge [sflag:s22], s20  }
0x9f: {  	s4 =	ssub.s32 $0x0, s20;
	[sflag:s22] =	ssyncset.done $0x0  }
0xa0: {  	[sflag:s22] =	ssyncadd.s32 s4;
	_ =	sdelay $0x1  }
0xa1: {  	s23 =	simm.s32 $0x1B8B  }
0xa2: {  	_ =	swait.ge [sflag:s23], $0x1  }
0xa3: {  	[sflag:s23] =	ssyncset.done $0x0  }
0xa4: {  	s25 =	simm.s32 $0x1B8E;
	s24 =	sld [smem:$0x3FFE];
	[sflag:s23] =	ssyncadd.s32 $0xFFFFFFFF  }
0xa5: {  	s26 =	simm.s32 $execute0_lowered;
	[smem:$0x3FD2] =	sst s25  }
0xa6: {  	s5 =	sshll.u32 s26, $0x1;
	_ =	strace $0x80000049;
	[dreg:$0x1] =	wrdreg $0xFFFFFFFF  }
0xa7: {  	s28 =	simm.s32 $_size_execute0_lowered;
	s3 =	sadd.s32 s3, s5;
	[dreg:$0x0] =	wrdreg $0x0  }
0xa8: {  	s5 =	sshll.u32 s28, $0x1;
	[dreg:$0x2] =	wrdreg s3  }
0xa9: {  	[dreg:$0x3] =	wrdreg s5  }
0xaa: {  	[dreg:$0x4] =	wrdreg $0xC0  }
0xab: {  	_ =	task [dreg:s7], $0x5FFFF  }
0xac: {  	[dreg:$0x1] =	wrdreg $0xFFFFFFFF  }
0xad: {  	[dreg:$0x0] =	wrdreg $0x60  }
0xae: {  	[dreg:$0x2] =	wrdreg s24  }
0xaf: {  	[dreg:$0x3] =	wrdreg s2  }
0xb0: {  	[dreg:$0x4] =	wrdreg $0x9  }
0xb1: {  	_ =	task.clear_ibuf [dreg:s7], $0x5FFFF;
	_ =	strace $0x90000049  }
0xb2: {  	s29 =	simm.s32 $0x9;
	_ =	strace $0x8000004B  }
0xb3: {  	_ =	swait.ge [sflag:s29], $0x1  }
0xb4: {  	[sflag:s29] =	ssyncadd.s32 $0xFFFFFFFF  }
0xb5: {  	_ =	strace $0x9000004B  }
0xb6: {  	_ =	sfence  }
0xb7: {  	s30 =	sld [smem:$0x0];
	_ =	sdelay $0x2  }
0xb8: {  	s31 =	sshll.u32 s1, $0xD;
	s1 =	sshrl.u32 s1, $0x2  }
0xb9: {  	s3 =	sand.u32 $0x4000, s31;
	s1 =	sadd.s32 s1, s30  }
0xba: {  	s0 =	sor.u32 s3, s0;
	s1 =	sshll.u32 s1, $0x11  }
0xbb: {  	s0 =	sor.u32 s1, s0  }
0xbc: {  	s0 =	sadd.s32 $0x8F2B, s0  }
0xbd: {  	[sflag:s0] =	ssyncadd.remote.s32 $0x1  }
0xbe: {  	_ =	sfence.sel $0xFFFF  }
0xbf: {  	[dreg:$0x0] =	wrdreg $0xFFFFFFFF;
	(pc) =	sbr.abs _section_cstart, $3  }
0xc0: {  	[dreg:$0x1] =	wrdreg $0xFFFFFFFF  }
0xc1: {  	_ =	task.clear_ibuf [dreg:s7], $0x2FFFF;
	_ =	strace $0x9FFFFFFF  }
0xc2: {  	(tm) =	ssettm $0x7FFFFFFF  }
0xc3: {  	_ =	shalt  }
tec
execute0_lowered:
.L_overlay_start_1:
0x0: {  	(tag) =	ssettag $0x1  }
0x1: {  	s0 =	rddreg [dreg:$0x0]  }
0x2: {  	s5 =	rddreg [dreg:$0x1];
	s3 =	srdreg.scid  }
0x3: {  	s2 =	simm.s32 $0x0;
	s1 =	stileid.u32;
	s26 =	simm.s32 $0x880  }
0x4: {  	s10 =	simm.s32 $0x1880;
	s11 =	simm.s32 $0x2080;
	s12 =	simm.s32 $0x2880  }
0x5: {  	s13 =	simm.s32 $0x3080;
	s14 =	simm.s32 $0x3880;
	s15 =	simm.s32 $0x4080  }
0x6: {  	s16 =	simm.s32 $0x4880;
	s17 =	simm.s32 $0x5080;
	s18 =	simm.s32 $0x5880  }
0x7: {  	s19 =	simm.s32 $0x6080;
	s20 =	simm.s32 $0x6880;
	s21 =	simm.s32 $0x7080  }
0x8: {  	s22 =	simm.s32 $0x7880;
	s28 =	simm.s32 $0xA080;
	s29 =	simm.s32 $0xA880  }
0x9: {  	s30 =	simm.s32 $0xB080;
	s31 =	simm.s32 $0xB880;
	s3 =	sand.u32 $0x1, s3  }
0xa: {  	[smem:$0x7FF] =	sst s2;
	s4 =	sshll.u32 s1, $0x4;
	s6 =	sshll.u32 s3, $0x3  }
0xb: {  	_ =	strace $0x8000004A;
	s23 =	ssub.s32 $0x2, s3;
	s3 =	sadd.s32 $0x1600, s0  }
0xc: {  	[dreg:$0x5] =	wrdreg s26;
	s26 =	simm.s32 $0x9880;
	s4 =	sor.u32 s6, s4  }
0xd: {  	s8 =	sshrl.u32 s23, $0x1;
	s7 =	sadd.s32 s4, s0;
	s9 =	smul.u32 $0x300, s4  }
0xe: {  	s6 =	ssub.s32 s23, s8;
	s4 =	sadd.s32 $0x1700, s0;
	s8 =	simm.s32 $0x80  }
0xf: {  	s23 =	simm.s32 $0x8080;
	s24 =	sadd.s32 $0x1400, s7;
	s6 =	smax.u32 s6, $0x1  }
0x10: {  	v2 =	vlaneseq.u32;
	s7 =	simm.s32 $0x2;
	[dreg:$0x3] =	wrdreg s24;
	s25 =	sadd.s32 s5, s9  }
0x11: {  	vm0 =	vmmov $0xffff;
	v1 =	vshrl.u32 v2, $0x3;
	s5 =	sadd.s32 $0x1800, s0;
	s9 =	simm.s32 $0x1080;
	s24 =	simm.s32 $0x8880  }
0x12: {  	v0 =	vand.u32 $0x7, v2;
	v2 =	vor.u32 $0x8, v2;
	v1 =	vmul.u32 $0x8, v1;
	s0 =	simm.s32 $0x1;
	[dreg:$0x4] =	wrdreg s25;
	s25 =	simm.s32 $0x9080  }
.LBB2_1:
0x13: {  	s1 =	rddreg [dreg:$0x3]  }
0x14: {  	[tilespmem:s2], [sflag:$0x2] =	stream.linear.gather [hbm4b:s1+s2], $0x40, $0x38;
	[tilespmem:$0xC080] =	vst v63  }
0x15: {  	_ =	swait.ge [sflag:s7], $0x40  }
0x16: {  	[sflag:s7] =	ssyncset.done $0x0  }
0x17: {  	[sflag:s7] =	ssyncadd.s32 $0xFFFFFFC0  }
0x18: {  	v3 =	vld [tilespmem:$0x0];
	_ =	sdelay $0x4  }
0x19: {  	v4 =	vshrl.u32 v3, $0x3  }
0x1a: {  	v4 =	vmul.u32 $0x30, v4  }
0x1b: {  	v3 =	vand.u32 $0x7, v3  }
0x1c: {  	v3 =	vor.u32 v3, v4  }
0x1d: {  	v4 =	vperm.xlane v3, v0;
	_ =	sdelay $0x1  }
0x1e: {  	v4 =	vadd.s32 v1, v4;
	_ =	sdelay $0x3  }
0x1f: {  	v3 =	vperm.xlane v3, v2  }
0x20: {  	[tilespmem:s8], [sflag:$0x1] =	stream.indirect_vreg.gather [hbm4b:s3+s2], $0x80, v4, vm0, $0xb8;
	[tilespmem:$0xC080] =	vst v63  }
0x21: {  	s1 =	rddreg [dreg:$0x5];
	v3 =	vadd.s32 v1, v3  }
0x22: {  	[tilespmem:s1], [sflag:$0x1] =	stream.indirect_vreg.gather [hbm4b:s4+s2], $0x80, v4, vm0, $0xb8;
	[tilespmem:$0xC080] =	vst v63  }
0x23: {  	_ = 	snop  }
0x24: {  	[tilespmem:s9], [sflag:$0x1] =	stream.indirect_vreg.gather [hbm4b:s5+s2], $0x80, v4, vm0, $0xb8;
	[tilespmem:$0xC080] =	vst v63  }
0x25: {  	_ = 	snop  }
0x26: {  	[tilespmem:s10], [sflag:$0x1] =	stream.indirect_vreg.gather [hbm4b:s3+s2], $0x80, v3, vm0, $0xb8;
	[tilespmem:$0xC080] =	vst v63  }
0x27: {  	_ = 	snop  }
0x28: {  	[tilespmem:s11], [sflag:$0x1] =	stream.indirect_vreg.gather [hbm4b:s4+s2], $0x80, v3, vm0, $0xb8;
	[tilespmem:$0xC080] =	vst v63  }
0x29: {  	_ = 	snop  }
0x2a: {  	[tilespmem:s12], [sflag:$0x1] =	stream.indirect_vreg.gather [hbm4b:s5+s2], $0x80, v3, vm0, $0xb8;
	[tilespmem:$0xC080] =	vst v63  }
0x2b: {  	v3 =	vld [tilespmem:$0x10];
	_ =	sdelay $0x4  }
0x2c: {  	v61 =	vshrl.u32 v3, $0x3  }
0x2d: {  	v4 =	vmul.u32 $0x30, v61  }
0x2e: {  	v3 =	vand.u32 $0x7, v3  }
0x2f: {  	v3 =	vor.u32 v3, v4  }
0x30: {  	v4 =	vperm.xlane v3, v0;
	_ =	sdelay $0x1  }
0x31: {  	v4 =	vadd.s32 v1, v4;
	_ =	sdelay $0x3  }
0x32: {  	v3 =	vperm.xlane v3, v2  }
0x33: {  	[tilespmem:s13], [sflag:$0x1] =	stream.indirect_vreg.gather [hbm4b:s3+s2], $0x80, v4, vm0, $0xb8;
	[tilespmem:$0xC080] =	vst v63  }
0x34: {  	v3 =	vadd.s32 v1, v3  }
0x35: {  	[tilespmem:s14], [sflag:$0x1] =	stream.indirect_vreg.gather [hbm4b:s4+s2], $0x80, v4, vm0, $0xb8;
	[tilespmem:$0xC080] =	vst v63  }
0x36: {  	_ = 	snop  }
0x37: {  	[tilespmem:s15], [sflag:$0x1] =	stream.indirect_vreg.gather [hbm4b:s5+s2], $0x80, v4, vm0, $0xb8;
	[tilespmem:$0xC080] =	vst v63  }
0x38: {  	_ = 	snop  }
0x39: {  	[tilespmem:s16], [sflag:$0x1] =	stream.indirect_vreg.gather [hbm4b:s3+s2], $0x80, v3, vm0, $0xb8;
	[tilespmem:$0xC080] =	vst v63  }
0x3a: {  	_ = 	snop  }
0x3b: {  	[tilespmem:s17], [sflag:$0x1] =	stream.indirect_vreg.gather [hbm4b:s4+s2], $0x80, v3, vm0, $0xb8;
	[tilespmem:$0xC080] =	vst v63  }
0x3c: {  	_ = 	snop  }
0x3d: {  	[tilespmem:s18], [sflag:$0x1] =	stream.indirect_vreg.gather [hbm4b:s5+s2], $0x80, v3, vm0, $0xb8;
	[tilespmem:$0xC080] =	vst v63  }
0x3e: {  	v3 =	vld [tilespmem:$0x20];
	_ =	sdelay $0x4  }
0x3f: {  	v62 =	vshrl.u32 v3, $0x3  }
0x40: {  	v4 =	vmul.u32 $0x30, v62  }
0x41: {  	v3 =	vand.u32 $0x7, v3  }
0x42: {  	v3 =	vor.u32 v3, v4  }
0x43: {  	v4 =	vperm.xlane v3, v0;
	_ =	sdelay $0x1  }
0x44: {  	v4 =	vadd.s32 v1, v4;
	_ =	sdelay $0x3  }
0x45: {  	v3 =	vperm.xlane v3, v2  }
0x46: {  	[tilespmem:s19], [sflag:$0x1] =	stream.indirect_vreg.gather [hbm4b:s3+s2], $0x80, v4, vm0, $0xb8;
	[tilespmem:$0xC080] =	vst v63  }
0x47: {  	v3 =	vadd.s32 v1, v3  }
0x48: {  	[tilespmem:s20], [sflag:$0x1] =	stream.indirect_vreg.gather [hbm4b:s4+s2], $0x80, v4, vm0, $0xb8;
	[tilespmem:$0xC080] =	vst v63  }
0x49: {  	_ = 	snop  }
0x4a: {  	[tilespmem:s21], [sflag:$0x1] =	stream.indirect_vreg.gather [hbm4b:s5+s2], $0x80, v4, vm0, $0xb8;
	[tilespmem:$0xC080] =	vst v63  }
0x4b: {  	_ = 	snop  }
0x4c: {  	[tilespmem:s22], [sflag:$0x1] =	stream.indirect_vreg.gather [hbm4b:s3+s2], $0x80, v3, vm0, $0xb8;
	[tilespmem:$0xC080] =	vst v63  }
0x4d: {  	_ = 	snop  }
0x4e: {  	[tilespmem:s23], [sflag:$0x1] =	stream.indirect_vreg.gather [hbm4b:s4+s2], $0x80, v3, vm0, $0xb8;
	[tilespmem:$0xC080] =	vst v63  }
0x4f: {  	_ = 	snop  }
0x50: {  	[tilespmem:s24], [sflag:$0x1] =	stream.indirect_vreg.gather [hbm4b:s5+s2], $0x80, v3, vm0, $0xb8;
	[tilespmem:$0xC080] =	vst v63  }
0x51: {  	v3 =	vld [tilespmem:$0x30];
	_ =	sdelay $0x4  }
0x52: {  	v63 =	vshrl.u32 v3, $0x3  }
0x53: {  	v4 =	vmul.u32 $0x30, v63  }
0x54: {  	v3 =	vand.u32 $0x7, v3  }
0x55: {  	v3 =	vor.u32 v3, v4  }
0x56: {  	v4 =	vperm.xlane v3, v0;
	_ =	sdelay $0x1  }
0x57: {  	v4 =	vadd.s32 v1, v4;
	_ =	sdelay $0x3  }
0x58: {  	v3 =	vperm.xlane v3, v2  }
0x59: {  	[tilespmem:s25], [sflag:$0x1] =	stream.indirect_vreg.gather [hbm4b:s3+s2], $0x80, v4, vm0, $0xb8;
	[tilespmem:$0xC080] =	vst v63  }
0x5a: {  	v3 =	vadd.s32 v1, v3  }
0x5b: {  	[tilespmem:s26], [sflag:$0x1] =	stream.indirect_vreg.gather [hbm4b:s4+s2], $0x80, v4, vm0, $0xb8;
	[tilespmem:$0xC080] =	vst v63  }
0x5c: {  	_ = 	snop  }
0x5d: {  	[tilespmem:s28], [sflag:$0x1] =	stream.indirect_vreg.gather [hbm4b:s5+s2], $0x80, v4, vm0, $0xb8;
	[tilespmem:$0xC080] =	vst v63  }
0x5e: {  	_ = 	snop  }
0x5f: {  	[tilespmem:s29], [sflag:$0x1] =	stream.indirect_vreg.gather [hbm4b:s3+s2], $0x80, v3, vm0, $0xb8;
	[tilespmem:$0xC080] =	vst v63  }
0x60: {  	_ = 	snop  }
0x61: {  	[tilespmem:s30], [sflag:$0x1] =	stream.indirect_vreg.gather [hbm4b:s4+s2], $0x80, v3, vm0, $0xb8;
	[tilespmem:$0xC080] =	vst v63  }
0x62: {  	_ = 	snop  }
0x63: {  	[tilespmem:s31], [sflag:$0x1] =	stream.indirect_vreg.gather [hbm4b:s5+s2], $0x80, v3, vm0, $0xb8;
	[tilespmem:$0xC080] =	vst v63  }
0x64: {  	_ =	swait.ge [sflag:s0], $0xC000  }
0x65: {  	p0 =	sne.s32 s6, $0x1;
	[sflag:s0] =	ssyncset.done $0x0  }
.Ltmp0:
0x66: {  	s1 =	rddreg [dreg:$0x4];
	[sflag:s0] =	ssyncadd.s32 $0xFFFF4000;
	(pc) =	sbr.rel @p0 .LBB2_1-.Ltmp0, $4  }
0x67: {  	[hbm4b:s1+s2] =	stream.linear.scatter [tilespmem:s8], [sflag:$0x2], $0xC000, $0x38;
	[tilespmem:$0xC080] =	vst v63  }
0x68: {  	_ =	swait.ge [sflag:s7], $0xC000  }
0x69: {  	[sflag:s7] =	ssyncset.done $0x0  }
0x6a: {  	s6 =	sadd.s32 $0xFFFFFFFF, s6;
	[sflag:s7] =	ssyncadd.s32 $0xFFFF4000  }
0x6b: {  	_ =	sfence.sel $0x180000  }
0x6c: {  	[bflag:$0x0] =	sbarrier.arrive $0xFFFF  }
0x6d: {  	_ =	strace $0x9000004A  }
0x6e: {  	s0 =	stileid.u32;
	[bflag:$0x2] =	sbarrier.arrive $0xFFFF  }
0x6f: {  	p0 =	sne.s32 s0, $0x0;
	s0 =	rddreg [dreg:$0x2]  }
0x70: {  	s0 =	sadd.s32 @!p0 $0x100000, s0  }
0x71: {  	[sflag:s0] =	ssyncadd.tile.s32 @!p0 $0x1;
	_ =	shalt  }
.Lfunc_end2:
_tile_overlayer_lowered:
.L_overlay_start_2:
0x72: {  	(tag) =	ssettag $0x2  }
0x73: {  	s0 =	rddreg [dreg:$0x0];
	s2 =	stileid.u32  }
0x74: {  	s1 =	rddreg [dreg:$0x1];
	p0 =	sne.s32 s2, $0x0  }
0x75: {  	s3 =	rddreg [dreg:$0x2];
	[bflag:$0x3] =	sbarrier.arrive $0xFFFF;
	s2 =	simm.s32 @!p0 $0x1C02  }
0x76: {  	[timem:s3], [sflag:s2] =	dma.local @!p0 [hbm:s0], s1  }
0x77: {  	s0 =	simm.s32 @!p0 $0x2  }
0x78: {  	_ =	swait.ge @!p0 [sflag:s0], s1  }
0x79: {  	s1 =	ssub.s32 @!p0 $0x0, s1;
	[sflag:s0] =	ssyncset.done @!p0 $0x0  }
0x7a: {  	[sflag:s0] =	ssyncadd.s32 @!p0 s1  }
0x7b: {  	[bflag:$0x3] =	sbarrier.arrive $0xFFFF  }
0x7c: {  	_ =	shalt  }

</sc_bundles>
